<compile_context>
chip_gen: v7x
topology: tpu7x:2x2x1
jax: 0.10.2.dev20260603
libtpu: 0.0.44.dev20260713+nightly
codegen_flags: <defaults>
</compile_context>

<pallas_src>
import jax
import jax.numpy as jnp
from jax import lax
from jax.experimental import pallas as pl
from jax.experimental.pallas import tpu as pltpu
from jax.experimental.pallas import tpu_sc as plsc

BATCH = 16384
DIM = 64
NC = 2
NS = 16
NW = NC * NS
BPW = BATCH // NW
CW = 128
CH = BPW // CW


def _gather_body(users_hbm, neg_hbm, ut_hbm, et_hbm,
                 u_out, n_out, uidx, nidx,
                 ubuf_a, ubuf_b, nbuf_a, nbuf_b,
                 sem_g_a, sem_g_b, sem_f_a, sem_f_b):
    wid = lax.axis_index("s") * NC + lax.axis_index("c")
    base = pl.multiple_of(wid * BPW, 128)
    for c in range(CH):
        pltpu.sync_copy(users_hbm.at[pl.ds(base + c * CW, CW)], uidx.at[c])
        pltpu.sync_copy(neg_hbm.at[pl.ds(base + c * CW, CW)], nidx.at[c])

    ubufs, nbufs = (ubuf_a, ubuf_b), (nbuf_a, nbuf_b)
    sem_g, sem_f = (sem_g_a, sem_g_b), (sem_f_a, sem_f_b)

    def gather(c, p):
        pltpu.async_copy(ut_hbm.at[uidx.at[c]], ubufs[p], sem_g[p])
        pltpu.async_copy(et_hbm.at[nidx.at[c]], nbufs[p], sem_g[p])

    def flush(c, p):
        pltpu.make_async_copy(ut_hbm.at[uidx.at[c]], ubufs[p],
                              sem_g[p]).wait()
        pltpu.make_async_copy(et_hbm.at[nidx.at[c]], nbufs[p],
                              sem_g[p]).wait()
        dst = pl.multiple_of(base + c * CW, 128)
        pltpu.async_copy(ubufs[p], u_out.at[pl.ds(dst, CW)], sem_f[p])
        pltpu.async_copy(nbufs[p], n_out.at[pl.ds(dst, CW)], sem_f[p])

    def wait_flush(c, p):
        dst = pl.multiple_of(base + c * CW, 128)
        pltpu.make_async_copy(ubufs[p], u_out.at[pl.ds(dst, CW)],
                              sem_f[p]).wait()
        pltpu.make_async_copy(nbufs[p], n_out.at[pl.ds(dst, CW)],
                              sem_f[p]).wait()

    gather(0, 0)
    for c in range(CH):
        p = c % 2
        if c + 1 < CH:
            gather(c + 1, 1 - p)
        if c >= 2:
            wait_flush(c - 2, p)
        flush(c, p)
    wait_flush(CH - 2, CH % 2)
    wait_flush(CH - 1, 1 - CH % 2)


_gather = pl.kernel(
    _gather_body,
    mesh=plsc.VectorSubcoreMesh(core_axis_name="c", subcore_axis_name="s"),
    out_type=(
        jax.ShapeDtypeStruct((BATCH, 2 * DIM), jnp.float32),
        jax.ShapeDtypeStruct((BATCH, 2 * DIM), jnp.float32),
    ),
    scratch_types=[
        pltpu.VMEM((CH, CW), jnp.int32),
        pltpu.VMEM((CH, CW), jnp.int32),
        pltpu.VMEM((CW, 2 * DIM), jnp.float32),
        pltpu.VMEM((CW, 2 * DIM), jnp.float32),
        pltpu.VMEM((CW, 2 * DIM), jnp.float32),
        pltpu.VMEM((CW, 2 * DIM), jnp.float32),
        pltpu.SemaphoreType.DMA,
        pltpu.SemaphoreType.DMA,
        pltpu.SemaphoreType.DMA,
        pltpu.SemaphoreType.DMA,
    ],
)


def _loss_body(u2_ref, n2_ref, out_ref):
    z = u2_ref[:, :DIM] * n2_ref[:, :DIM]
    sp = jnp.maximum(z, 0.0) + jnp.log1p(jnp.exp(-jnp.abs(z)))
    out_ref[0, 0] = jnp.mean(sp)


def kernel(users, pos, neg, user_table, entity_table):
    del pos
    users = users.astype(jnp.int32)
    neg = neg.astype(jnp.int32)
    ut2 = jnp.pad(user_table, ((0, 0), (0, DIM)))
    et2 = jnp.pad(entity_table, ((0, 0), (0, DIM)))
    u2, n2 = _gather(users, neg, ut2, et2)
    loss = pl.pallas_call(
        _loss_body,
        out_shape=jax.ShapeDtypeStruct((1, 1), jnp.float32),
        out_specs=pl.BlockSpec(memory_space=pltpu.SMEM),
    )(u2, n2)
    return loss[0, 0]

# --- scband reference (transcript-rebuilt; emitter-appended) ---
"""Pipeline reference for scband-critique-65712999629035 (READ-ONLY COPY).

The authoritative reference and input builder live on the scoring server;
editing this copy changes nothing except your own understanding.
"""

import jax, jax.numpy as jnp
import numpy as np

NUM_USERS = 100000
NUM_ENTITIES = 1000000
DIM = 64
BATCH = 16384


def setup_inputs(seed: int = 0) -> dict:
    key = jax.random.key(seed)
    k1, k2, k3, k4, k5 = jax.random.split(key, 5)
    users = jax.random.randint(k1, (BATCH,), 0, NUM_USERS)
    pos = jax.random.randint(k2, (BATCH,), 0, NUM_ENTITIES)
    neg = jax.random.randint(k3, (BATCH,), 0, NUM_ENTITIES)
    user_table = jax.random.normal(k4, (NUM_USERS, DIM), dtype=jnp.float32)
    entity_table = jax.random.normal(k5, (NUM_ENTITIES, DIM), dtype=jnp.float32)
    return {
        "users": users,
        "pos": pos,
        "neg": neg,
        "user_table": user_table,
        "entity_table": entity_table,
    }


def reference(users, pos, neg, user_table, entity_table):
    # Embedding lookups (gather)
    user_emb_input = jnp.take(user_table, users, axis=0)
    item_emb_input = jnp.take(entity_table, pos, axis=0)
    keyphrase_emb_input = jnp.take(entity_table, neg, axis=0)
    # create_bpr_loss (faithful: pos_scores computed but unused in original)
    pos_scores = user_emb_input * item_emb_input
    neg_scores = user_emb_input * keyphrase_emb_input
    bpr_loss = -1.0 * jnp.mean(jax.nn.log_sigmoid(0.0 - neg_scores))
    return bpr_loss

if __name__ == "__main__":
    import jax
    _d = setup_inputs()
    print(jax.jit(kernel)(*tuple(_d.values())))

</pallas_src>

<mosaic_0001>
#map = affine_map<(d0, d1) -> (0)>
#map1 = affine_map<(d0, d1) -> (0, 0)>
module attributes {stable_mosaic.version = 14 : i64} {
  func.func @_gather_body(%arg0: i32, %arg1: i32, %arg2: memref<16384xi32, #tpu.memory_space<hbm>>, %arg3: memref<16384xi32, #tpu.memory_space<hbm>>, %arg4: memref<100000x128xf32, #tpu.memory_space<hbm>>, %arg5: memref<1000000x128xf32, #tpu.memory_space<hbm>>, %arg6: memref<16384x128xf32, #tpu.memory_space<hbm>>, %arg7: memref<16384x128xf32, #tpu.memory_space<hbm>>, %arg8: memref<4x128xi32, #tpu.memory_space<vmem>>, %arg9: memref<4x128xi32, #tpu.memory_space<vmem>>, %arg10: memref<128x128xf32, #tpu.memory_space<vmem>>, %arg11: memref<128x128xf32, #tpu.memory_space<vmem>>, %arg12: memref<128x128xf32, #tpu.memory_space<vmem>>, %arg13: memref<128x128xf32, #tpu.memory_space<vmem>>, %arg14: memref<!tpu.dma_semaphore, #tpu.memory_space<semaphore_mem>>, %arg15: memref<!tpu.dma_semaphore, #tpu.memory_space<semaphore_mem>>, %arg16: memref<!tpu.dma_semaphore, #tpu.memory_space<semaphore_mem>>, %arg17: memref<!tpu.dma_semaphore, #tpu.memory_space<semaphore_mem>>) attributes {dimension_semantics = [#tpu.dimension_semantics<core_parallel>, #tpu.dimension_semantics<subcore_parallel>], iteration_bounds = array<i64: 2, 16>, scalar_prefetch = 0 : i64, scratch_operands = 10 : i64, tpu.core_type = #tpu.core_type<sc_vector_subcore>, window_params = [{transform_indices = #map}, {transform_indices = #map}, {transform_indices = #map1}, {transform_indices = #map1}, {transform_indices = #map1}, {transform_indices = #map1}]} {
    %mul3A = arith.constant 2 : i32
    %mul3A_0 = arith.muli %arg1, %mul3A : i32
    %add3A = arith.addi %mul3A_0, %arg0 : i32
    %mul3A_1 = arith.constant 512 : i32
    %mul3A_2 = arith.muli %add3A, %mul3A_1 : i32
    %multiple_of3A = tpu.assume_multiple %mul3A_2, 128 : i32
    %add3A_3 = arith.constant 0 : i32
    %add3A_4 = arith.addi %multiple_of3A, %add3A_3 : i32
    %run_scoped3A = arith.constant 0 : i32
    "tpu.region"() ({
      %run_scoped3A_224 = tpu.sem_alloc : memref<!tpu.dma_semaphore, #tpu.memory_space<semaphore_mem>>
      %dma_start3A_225 = arith.constant 0 : i32
      %dma_start3A_226 = tpu.memref_slice %arg8[%run_scoped3A, %dma_start3A_225] : memref<4x128xi32, #tpu.memory_space<vmem>> -> memref<1x128xi32, #tpu.memory_space<vmem>>
      %dma_start3A_227 = tpu.memref_squeeze %dma_start3A_226 : memref<1x128xi32, #tpu.memory_space<vmem>> -> memref<128xi32, #tpu.memory_space<vmem>>
      %dma_start3A_228 = tpu.memref_slice %arg2[%add3A_4] : memref<16384xi32, #tpu.memory_space<hbm>> -> memref<128xi32, #tpu.memory_space<hbm>>
      %dma_start3A_229 = arith.constant 0 : i32
      %dma_start3A_230 = tpu.memref_slice %arg8[%run_scoped3A, %dma_start3A_229] : memref<4x128xi32, #tpu.memory_space<vmem>> -> memref<1x128xi32, #tpu.memory_space<vmem>>
      %dma_start3A_231 = tpu.memref_squeeze %dma_start3A_230 : memref<1x128xi32, #tpu.memory_space<vmem>> -> memref<128xi32, #tpu.memory_space<vmem>>
      %dma_start3A_232 = tpu.memref_slice %arg2[%add3A_4] : memref<16384xi32, #tpu.memory_space<hbm>> -> memref<128xi32, #tpu.memory_space<hbm>>
      tpu.enqueue_dma source(%dma_start3A_232 : memref<128xi32, #tpu.memory_space<hbm>>) target(%dma_start3A_231 : memref<128xi32, #tpu.memory_space<vmem>>) target_semaphore(%run_scoped3A_224 : memref<!tpu.dma_semaphore, #tpu.memory_space<semaphore_mem>>)
      %dma_wait3A_233 = arith.constant 0 : i32
      %dma_wait3A_234 = tpu.memref_slice %arg8[%run_scoped3A, %dma_wait3A_233] : memref<4x128xi32, #tpu.memory_space<vmem>> -> memref<1x128xi32, #tpu.memory_space<vmem>>
      %dma_wait3A_235 = tpu.memref_squeeze %dma_wait3A_234 : memref<1x128xi32, #tpu.memory_space<vmem>> -> memref<128xi32, #tpu.memory_space<vmem>>
      %dma_wait3A_236 = tpu.memref_slice %arg2[%add3A_4] : memref<16384xi32, #tpu.memory_space<hbm>> -> memref<128xi32, #tpu.memory_space<hbm>>
      %dma_wait3A_237 = arith.constant 0 : i32
      %dma_wait3A_238 = tpu.memref_slice %arg8[%run_scoped3A, %dma_wait3A_237] : memref<4x128xi32, #tpu.memory_space<vmem>> -> memref<1x128xi32, #tpu.memory_space<vmem>>
      %dma_wait3A_239 = tpu.memref_squeeze %dma_wait3A_238 : memref<1x128xi32, #tpu.memory_space<vmem>> -> memref<128xi32, #tpu.memory_space<vmem>>
      %dma_wait3A_240 = tpu.memref_slice %arg2[%add3A_4] : memref<16384xi32, #tpu.memory_space<hbm>> -> memref<128xi32, #tpu.memory_space<hbm>>
      tpu.wait_dma2 semaphore(%run_scoped3A_224 : memref<!tpu.dma_semaphore, #tpu.memory_space<semaphore_mem>>) src(%dma_wait3A_240 : memref<128xi32, #tpu.memory_space<hbm>>) dst(%dma_wait3A_239 : memref<128xi32, #tpu.memory_space<vmem>>)
      tpu.yield
    }) : () -> ()
    %add3A_5 = arith.constant 0 : i32
    %add3A_6 = arith.addi %multiple_of3A, %add3A_5 : i32
    %run_scoped3A_7 = arith.constant 0 : i32
    "tpu.region"() ({
      %run_scoped3A_224 = tpu.sem_alloc : memref<!tpu.dma_semaphore, #tpu.memory_space<semaphore_mem>>
      %dma_start3A_225 = arith.constant 0 : i32
      %dma_start3A_226 = tpu.memref_slice %arg9[%run_scoped3A_7, %dma_start3A_225] : memref<4x128xi32, #tpu.memory_space<vmem>> -> memref<1x128xi32, #tpu.memory_space<vmem>>
      %dma_start3A_227 = tpu.memref_squeeze %dma_start3A_226 : memref<1x128xi32, #tpu.memory_space<vmem>> -> memref<128xi32, #tpu.memory_space<vmem>>
      %dma_start3A_228 = tpu.memref_slice %arg3[%add3A_6] : memref<16384xi32, #tpu.memory_space<hbm>> -> memref<128xi32, #tpu.memory_space<hbm>>
      %dma_start3A_229 = arith.constant 0 : i32
      %dma_start3A_230 = tpu.memref_slice %arg9[%run_scoped3A_7, %dma_start3A_229] : memref<4x128xi32, #tpu.memory_space<vmem>> -> memref<1x128xi32, #tpu.memory_space<vmem>>
      %dma_start3A_231 = tpu.memref_squeeze %dma_start3A_230 : memref<1x128xi32, #tpu.memory_space<vmem>> -> memref<128xi32, #tpu.memory_space<vmem>>
      %dma_start3A_232 = tpu.memref_slice %arg3[%add3A_6] : memref<16384xi32, #tpu.memory_space<hbm>> -> memref<128xi32, #tpu.memory_space<hbm>>
      tpu.enqueue_dma source(%dma_start3A_232 : memref<128xi32, #tpu.memory_space<hbm>>) target(%dma_start3A_231 : memref<128xi32, #tpu.memory_space<vmem>>) target_semaphore(%run_scoped3A_224 : memref<!tpu.dma_semaphore, #tpu.memory_space<semaphore_mem>>)
      %dma_wait3A_233 = arith.constant 0 : i32
      %dma_wait3A_234 = tpu.memref_slice %arg9[%run_scoped3A_7, %dma_wait3A_233] : memref<4x128xi32, #tpu.memory_space<vmem>> -> memref<1x128xi32, #tpu.memory_space<vmem>>
      %dma_wait3A_235 = tpu.memref_squeeze %dma_wait3A_234 : memref<1x128xi32, #tpu.memory_space<vmem>> -> memref<128xi32, #tpu.memory_space<vmem>>
      %dma_wait3A_236 = tpu.memref_slice %arg3[%add3A_6] : memref<16384xi32, #tpu.memory_space<hbm>> -> memref<128xi32, #tpu.memory_space<hbm>>
      %dma_wait3A_237 = arith.constant 0 : i32
      %dma_wait3A_238 = tpu.memref_slice %arg9[%run_scoped3A_7, %dma_wait3A_237] : memref<4x128xi32, #tpu.memory_space<vmem>> -> memref<1x128xi32, #tpu.memory_space<vmem>>
      %dma_wait3A_239 = tpu.memref_squeeze %dma_wait3A_238 : memref<1x128xi32, #tpu.memory_space<vmem>> -> memref<128xi32, #tpu.memory_space<vmem>>
      %dma_wait3A_240 = tpu.memref_slice %arg3[%add3A_6] : memref<16384xi32, #tpu.memory_space<hbm>> -> memref<128xi32, #tpu.memory_space<hbm>>
      tpu.wait_dma2 semaphore(%run_scoped3A_224 : memref<!tpu.dma_semaphore, #tpu.memory_space<semaphore_mem>>) src(%dma_wait3A_240 : memref<128xi32, #tpu.memory_space<hbm>>) dst(%dma_wait3A_239 : memref<128xi32, #tpu.memory_space<vmem>>)
      tpu.yield
    }) : () -> ()
    %add3A_8 = arith.constant 128 : i32
    %add3A_9 = arith.addi %multiple_of3A, %add3A_8 : i32
    %run_scoped3A_10 = arith.constant 1 : i32
    "tpu.region"() ({
      %run_scoped3A_224 = tpu.sem_alloc : memref<!tpu.dma_semaphore, #tpu.memory_space<semaphore_mem>>
      %dma_start3A_225 = arith.constant 0 : i32
      %dma_start3A_226 = tpu.memref_slice %arg8[%run_scoped3A_10, %dma_start3A_225] : memref<4x128xi32, #tpu.memory_space<vmem>> -> memref<1x128xi32, #tpu.memory_space<vmem>>
      %dma_start3A_227 = tpu.memref_squeeze %dma_start3A_226 : memref<1x128xi32, #tpu.memory_space<vmem>> -> memref<128xi32, #tpu.memory_space<vmem>>
      %dma_start3A_228 = tpu.memref_slice %arg2[%add3A_9] : memref<16384xi32, #tpu.memory_space<hbm>> -> memref<128xi32, #tpu.memory_space<hbm>>
      %dma_start3A_229 = arith.constant 0 : i32
      %dma_start3A_230 = tpu.memref_slice %arg8[%run_scoped3A_10, %dma_start3A_229] : memref<4x128xi32, #tpu.memory_space<vmem>> -> memref<1x128xi32, #tpu.memory_space<vmem>>
      %dma_start3A_231 = tpu.memref_squeeze %dma_start3A_230 : memref<1x128xi32, #tpu.memory_space<vmem>> -> memref<128xi32, #tpu.memory_space<vmem>>
      %dma_start3A_232 = tpu.memref_slice %arg2[%add3A_9] : memref<16384xi32, #tpu.memory_space<hbm>> -> memref<128xi32, #tpu.memory_space<hbm>>
      tpu.enqueue_dma source(%dma_start3A_232 : memref<128xi32, #tpu.memory_space<hbm>>) target(%dma_start3A_231 : memref<128xi32, #tpu.memory_space<vmem>>) target_semaphore(%run_scoped3A_224 : memref<!tpu.dma_semaphore, #tpu.memory_space<semaphore_mem>>)
      %dma_wait3A_233 = arith.constant 0 : i32
      %dma_wait3A_234 = tpu.memref_slice %arg8[%run_scoped3A_10, %dma_wait3A_233] : memref<4x128xi32, #tpu.memory_space<vmem>> -> memref<1x128xi32, #tpu.memory_space<vmem>>
      %dma_wait3A_235 = tpu.memref_squeeze %dma_wait3A_234 : memref<1x128xi32, #tpu.memory_space<vmem>> -> memref<128xi32, #tpu.memory_space<vmem>>
      %dma_wait3A_236 = tpu.memref_slice %arg2[%add3A_9] : memref<16384xi32, #tpu.memory_space<hbm>> -> memref<128xi32, #tpu.memory_space<hbm>>
      %dma_wait3A_237 = arith.constant 0 : i32
      %dma_wait3A_238 = tpu.memref_slice %arg8[%run_scoped3A_10, %dma_wait3A_237] : memref<4x128xi32, #tpu.memory_space<vmem>> -> memref<1x128xi32, #tpu.memory_space<vmem>>
      %dma_wait3A_239 = tpu.memref_squeeze %dma_wait3A_238 : memref<1x128xi32, #tpu.memory_space<vmem>> -> memref<128xi32, #tpu.memory_space<vmem>>
      %dma_wait3A_240 = tpu.memref_slice %arg2[%add3A_9] : memref<16384xi32, #tpu.memory_space<hbm>> -> memref<128xi32, #tpu.memory_space<hbm>>
      tpu.wait_dma2 semaphore(%run_scoped3A_224 : memref<!tpu.dma_semaphore, #tpu.memory_space<semaphore_mem>>) src(%dma_wait3A_240 : memref<128xi32, #tpu.memory_space<hbm>>) dst(%dma_wait3A_239 : memref<128xi32, #tpu.memory_space<vmem>>)
      tpu.yield
    }) : () -> ()
    %add3A_11 = arith.constant 128 : i32
    %add3A_12 = arith.addi %multiple_of3A, %add3A_11 : i32
    %run_scoped3A_13 = arith.constant 1 : i32
    "tpu.region"() ({
      %run_scoped3A_224 = tpu.sem_alloc : memref<!tpu.dma_semaphore, #tpu.memory_space<semaphore_mem>>
      %dma_start3A_225 = arith.constant 0 : i32
      %dma_start3A_226 = tpu.memref_slice %arg9[%run_scoped3A_13, %dma_start3A_225] : memref<4x128xi32, #tpu.memory_space<vmem>> -> memref<1x128xi32, #tpu.memory_space<vmem>>
      %dma_start3A_227 = tpu.memref_squeeze %dma_start3A_226 : memref<1x128xi32, #tpu.memory_space<vmem>> -> memref<128xi32, #tpu.memory_space<vmem>>
      %dma_start3A_228 = tpu.memref_slice %arg3[%add3A_12] : memref<16384xi32, #tpu.memory_space<hbm>> -> memref<128xi32, #tpu.memory_space<hbm>>
      %dma_start3A_229 = arith.constant 0 : i32
      %dma_start3A_230 = tpu.memref_slice %arg9[%run_scoped3A_13, %dma_start3A_229] : memref<4x128xi32, #tpu.memory_space<vmem>> -> memref<1x128xi32, #tpu.memory_space<vmem>>
      %dma_start3A_231 = tpu.memref_squeeze %dma_start3A_230 : memref<1x128xi32, #tpu.memory_space<vmem>> -> memref<128xi32, #tpu.memory_space<vmem>>
      %dma_start3A_232 = tpu.memref_slice %arg3[%add3A_12] : memref<16384xi32, #tpu.memory_space<hbm>> -> memref<128xi32, #tpu.memory_space<hbm>>
      tpu.enqueue_dma source(%dma_start3A_232 : memref<128xi32, #tpu.memory_space<hbm>>) target(%dma_start3A_231 : memref<128xi32, #tpu.memory_space<vmem>>) target_semaphore(%run_scoped3A_224 : memref<!tpu.dma_semaphore, #tpu.memory_space<semaphore_mem>>)
      %dma_wait3A_233 = arith.constant 0 : i32
      %dma_wait3A_234 = tpu.memref_slice %arg9[%run_scoped3A_13, %dma_wait3A_233] : memref<4x128xi32, #tpu.memory_space<vmem>> -> memref<1x128xi32, #tpu.memory_space<vmem>>
      %dma_wait3A_235 = tpu.memref_squeeze %dma_wait3A_234 : memref<1x128xi32, #tpu.memory_space<vmem>> -> memref<128xi32, #tpu.memory_space<vmem>>
      %dma_wait3A_236 = tpu.memref_slice %arg3[%add3A_12] : memref<16384xi32, #tpu.memory_space<hbm>> -> memref<128xi32, #tpu.memory_space<hbm>>
      %dma_wait3A_237 = arith.constant 0 : i32
      %dma_wait3A_238 = tpu.memref_slice %arg9[%run_scoped3A_13, %dma_wait3A_237] : memref<4x128xi32, #tpu.memory_space<vmem>> -> memref<1x128xi32, #tpu.memory_space<vmem>>
      %dma_wait3A_239 = tpu.memref_squeeze %dma_wait3A_238 : memref<1x128xi32, #tpu.memory_space<vmem>> -> memref<128xi32, #tpu.memory_space<vmem>>
      %dma_wait3A_240 = tpu.memref_slice %arg3[%add3A_12] : memref<16384xi32, #tpu.memory_space<hbm>> -> memref<128xi32, #tpu.memory_space<hbm>>
      tpu.wait_dma2 semaphore(%run_scoped3A_224 : memref<!tpu.dma_semaphore, #tpu.memory_space<semaphore_mem>>) src(%dma_wait3A_240 : memref<128xi32, #tpu.memory_space<hbm>>) dst(%dma_wait3A_239 : memref<128xi32, #tpu.memory_space<vmem>>)
      tpu.yield
    }) : () -> ()
    %add3A_14 = arith.constant 256 : i32
    %add3A_15 = arith.addi %multiple_of3A, %add3A_14 : i32
    %run_scoped3A_16 = arith.constant 2 : i32
    "tpu.region"() ({
      %run_scoped3A_224 = tpu.sem_alloc : memref<!tpu.dma_semaphore, #tpu.memory_space<semaphore_mem>>
      %dma_start3A_225 = arith.constant 0 : i32
      %dma_start3A_226 = tpu.memref_slice %arg8[%run_scoped3A_16, %dma_start3A_225] : memref<4x128xi32, #tpu.memory_space<vmem>> -> memref<1x128xi32, #tpu.memory_space<vmem>>
      %dma_start3A_227 = tpu.memref_squeeze %dma_start3A_226 : memref<1x128xi32, #tpu.memory_space<vmem>> -> memref<128xi32, #tpu.memory_space<vmem>>
      %dma_start3A_228 = tpu.memref_slice %arg2[%add3A_15] : memref<16384xi32, #tpu.memory_space<hbm>> -> memref<128xi32, #tpu.memory_space<hbm>>
      %dma_start3A_229 = arith.constant 0 : i32
      %dma_start3A_230 = tpu.memref_slice %arg8[%run_scoped3A_16, %dma_start3A_229] : memref<4x128xi32, #tpu.memory_space<vmem>> -> memref<1x128xi32, #tpu.memory_space<vmem>>
      %dma_start3A_231 = tpu.memref_squeeze %dma_start3A_230 : memref<1x128xi32, #tpu.memory_space<vmem>> -> memref<128xi32, #tpu.memory_space<vmem>>
      %dma_start3A_232 = tpu.memref_slice %arg2[%add3A_15] : memref<16384xi32, #tpu.memory_space<hbm>> -> memref<128xi32, #tpu.memory_space<hbm>>
      tpu.enqueue_dma source(%dma_start3A_232 : memref<128xi32, #tpu.memory_space<hbm>>) target(%dma_start3A_231 : memref<128xi32, #tpu.memory_space<vmem>>) target_semaphore(%run_scoped3A_224 : memref<!tpu.dma_semaphore, #tpu.memory_space<semaphore_mem>>)
      %dma_wait3A_233 = arith.constant 0 : i32
      %dma_wait3A_234 = tpu.memref_slice %arg8[%run_scoped3A_16, %dma_wait3A_233] : memref<4x128xi32, #tpu.memory_space<vmem>> -> memref<1x128xi32, #tpu.memory_space<vmem>>
      %dma_wait3A_235 = tpu.memref_squeeze %dma_wait3A_234 : memref<1x128xi32, #tpu.memory_space<vmem>> -> memref<128xi32, #tpu.memory_space<vmem>>
      %dma_wait3A_236 = tpu.memref_slice %arg2[%add3A_15] : memref<16384xi32, #tpu.memory_space<hbm>> -> memref<128xi32, #tpu.memory_space<hbm>>
      %dma_wait3A_237 = arith.constant 0 : i32
      %dma_wait3A_238 = tpu.memref_slice %arg8[%run_scoped3A_16, %dma_wait3A_237] : memref<4x128xi32, #tpu.memory_space<vmem>> -> memref<1x128xi32, #tpu.memory_space<vmem>>
      %dma_wait3A_239 = tpu.memref_squeeze %dma_wait3A_238 : memref<1x128xi32, #tpu.memory_space<vmem>> -> memref<128xi32, #tpu.memory_space<vmem>>
      %dma_wait3A_240 = tpu.memref_slice %arg2[%add3A_15] : memref<16384xi32, #tpu.memory_space<hbm>> -> memref<128xi32, #tpu.memory_space<hbm>>
      tpu.wait_dma2 semaphore(%run_scoped3A_224 : memref<!tpu.dma_semaphore, #tpu.memory_space<semaphore_mem>>) src(%dma_wait3A_240 : memref<128xi32, #tpu.memory_space<hbm>>) dst(%dma_wait3A_239 : memref<128xi32, #tpu.memory_space<vmem>>)
      tpu.yield
    }) : () -> ()
    %add3A_17 = arith.constant 256 : i32
    %add3A_18 = arith.addi %multiple_of3A, %add3A_17 : i32
    %run_scoped3A_19 = arith.constant 2 : i32
    "tpu.region"() ({
      %run_scoped3A_224 = tpu.sem_alloc : memref<!tpu.dma_semaphore, #tpu.memory_space<semaphore_mem>>
      %dma_start3A_225 = arith.constant 0 : i32
      %dma_start3A_226 = tpu.memref_slice %arg9[%run_scoped3A_19, %dma_start3A_225] : memref<4x128xi32, #tpu.memory_space<vmem>> -> memref<1x128xi32, #tpu.memory_space<vmem>>
      %dma_start3A_227 = tpu.memref_squeeze %dma_start3A_226 : memref<1x128xi32, #tpu.memory_space<vmem>> -> memref<128xi32, #tpu.memory_space<vmem>>
      %dma_start3A_228 = tpu.memref_slice %arg3[%add3A_18] : memref<16384xi32, #tpu.memory_space<hbm>> -> memref<128xi32, #tpu.memory_space<hbm>>
      %dma_start3A_229 = arith.constant 0 : i32
      %dma_start3A_230 = tpu.memref_slice %arg9[%run_scoped3A_19, %dma_start3A_229] : memref<4x128xi32, #tpu.memory_space<vmem>> -> memref<1x128xi32, #tpu.memory_space<vmem>>
      %dma_start3A_231 = tpu.memref_squeeze %dma_start3A_230 : memref<1x128xi32, #tpu.memory_space<vmem>> -> memref<128xi32, #tpu.memory_space<vmem>>
      %dma_start3A_232 = tpu.memref_slice %arg3[%add3A_18] : memref<16384xi32, #tpu.memory_space<hbm>> -> memref<128xi32, #tpu.memory_space<hbm>>
      tpu.enqueue_dma source(%dma_start3A_232 : memref<128xi32, #tpu.memory_space<hbm>>) target(%dma_start3A_231 : memref<128xi32, #tpu.memory_space<vmem>>) target_semaphore(%run_scoped3A_224 : memref<!tpu.dma_semaphore, #tpu.memory_space<semaphore_mem>>)
      %dma_wait3A_233 = arith.constant 0 : i32
      %dma_wait3A_234 = tpu.memref_slice %arg9[%run_scoped3A_19, %dma_wait3A_233] : memref<4x128xi32, #tpu.memory_space<vmem>> -> memref<1x128xi32, #tpu.memory_space<vmem>>
      %dma_wait3A_235 = tpu.memref_squeeze %dma_wait3A_234 : memref<1x128xi32, #tpu.memory_space<vmem>> -> memref<128xi32, #tpu.memory_space<vmem>>
      %dma_wait3A_236 = tpu.memref_slice %arg3[%add3A_18] : memref<16384xi32, #tpu.memory_space<hbm>> -> memref<128xi32, #tpu.memory_space<hbm>>
      %dma_wait3A_237 = arith.constant 0 : i32
      %dma_wait3A_238 = tpu.memref_slice %arg9[%run_scoped3A_19, %dma_wait3A_237] : memref<4x128xi32, #tpu.memory_space<vmem>> -> memref<1x128xi32, #tpu.memory_space<vmem>>
      %dma_wait3A_239 = tpu.memref_squeeze %dma_wait3A_238 : memref<1x128xi32, #tpu.memory_space<vmem>> -> memref<128xi32, #tpu.memory_space<vmem>>
      %dma_wait3A_240 = tpu.memref_slice %arg3[%add3A_18] : memref<16384xi32, #tpu.memory_space<hbm>> -> memref<128xi32, #tpu.memory_space<hbm>>
      tpu.wait_dma2 semaphore(%run_scoped3A_224 : memref<!tpu.dma_semaphore, #tpu.memory_space<semaphore_mem>>) src(%dma_wait3A_240 : memref<128xi32, #tpu.memory_space<hbm>>) dst(%dma_wait3A_239 : memref<128xi32, #tpu.memory_space<vmem>>)
      tpu.yield
    }) : () -> ()
    %add3A_20 = arith.constant 384 : i32
    %add3A_21 = arith.addi %multiple_of3A, %add3A_20 : i32
    %run_scoped3A_22 = arith.constant 3 : i32
    "tpu.region"() ({
      %run_scoped3A_224 = tpu.sem_alloc : memref<!tpu.dma_semaphore, #tpu.memory_space<semaphore_mem>>
      %dma_start3A_225 = arith.constant 0 : i32
      %dma_start3A_226 = tpu.memref_slice %arg8[%run_scoped3A_22, %dma_start3A_225] : memref<4x128xi32, #tpu.memory_space<vmem>> -> memref<1x128xi32, #tpu.memory_space<vmem>>
      %dma_start3A_227 = tpu.memref_squeeze %dma_start3A_226 : memref<1x128xi32, #tpu.memory_space<vmem>> -> memref<128xi32, #tpu.memory_space<vmem>>
      %dma_start3A_228 = tpu.memref_slice %arg2[%add3A_21] : memref<16384xi32, #tpu.memory_space<hbm>> -> memref<128xi32, #tpu.memory_space<hbm>>
      %dma_start3A_229 = arith.constant 0 : i32
      %dma_start3A_230 = tpu.memref_slice %arg8[%run_scoped3A_22, %dma_start3A_229] : memref<4x128xi32, #tpu.memory_space<vmem>> -> memref<1x128xi32, #tpu.memory_space<vmem>>
      %dma_start3A_231 = tpu.memref_squeeze %dma_start3A_230 : memref<1x128xi32, #tpu.memory_space<vmem>> -> memref<128xi32, #tpu.memory_space<vmem>>
      %dma_start3A_232 = tpu.memref_slice %arg2[%add3A_21] : memref<16384xi32, #tpu.memory_space<hbm>> -> memref<128xi32, #tpu.memory_space<hbm>>
      tpu.enqueue_dma source(%dma_start3A_232 : memref<128xi32, #tpu.memory_space<hbm>>) target(%dma_start3A_231 : memref<128xi32, #tpu.memory_space<vmem>>) target_semaphore(%run_scoped3A_224 : memref<!tpu.dma_semaphore, #tpu.memory_space<semaphore_mem>>)
      %dma_wait3A_233 = arith.constant 0 : i32
      %dma_wait3A_234 = tpu.memref_slice %arg8[%run_scoped3A_22, %dma_wait3A_233] : memref<4x128xi32, #tpu.memory_space<vmem>> -> memref<1x128xi32, #tpu.memory_space<vmem>>
      %dma_wait3A_235 = tpu.memref_squeeze %dma_wait3A_234 : memref<1x128xi32, #tpu.memory_space<vmem>> -> memref<128xi32, #tpu.memory_space<vmem>>
      %dma_wait3A_236 = tpu.memref_slice %arg2[%add3A_21] : memref<16384xi32, #tpu.memory_space<hbm>> -> memref<128xi32, #tpu.memory_space<hbm>>
      %dma_wait3A_237 = arith.constant 0 : i32
      %dma_wait3A_238 = tpu.memref_slice %arg8[%run_scoped3A_22, %dma_wait3A_237] : memref<4x128xi32, #tpu.memory_space<vmem>> -> memref<1x128xi32, #tpu.memory_space<vmem>>
      %dma_wait3A_239 = tpu.memref_squeeze %dma_wait3A_238 : memref<1x128xi32, #tpu.memory_space<vmem>> -> memref<128xi32, #tpu.memory_space<vmem>>
      %dma_wait3A_240 = tpu.memref_slice %arg2[%add3A_21] : memref<16384xi32, #tpu.memory_space<hbm>> -> memref<128xi32, #tpu.memory_space<hbm>>
      tpu.wait_dma2 semaphore(%run_scoped3A_224 : memref<!tpu.dma_semaphore, #tpu.memory_space<semaphore_mem>>) src(%dma_wait3A_240 : memref<128xi32, #tpu.memory_space<hbm>>) dst(%dma_wait3A_239 : memref<128xi32, #tpu.memory_space<vmem>>)
      tpu.yield
    }) : () -> ()
    %add3A_23 = arith.constant 384 : i32
    %add3A_24 = arith.addi %multiple_of3A, %add3A_23 : i32
    %run_scoped3A_25 = arith.constant 3 : i32
    "tpu.region"() ({
      %run_scoped3A_224 = tpu.sem_alloc : memref<!tpu.dma_semaphore, #tpu.memory_space<semaphore_mem>>
      %dma_start3A_225 = arith.constant 0 : i32
      %dma_start3A_226 = tpu.memref_slice %arg9[%run_scoped3A_25, %dma_start3A_225] : memref<4x128xi32, #tpu.memory_space<vmem>> -> memref<1x128xi32, #tpu.memory_space<vmem>>
      %dma_start3A_227 = tpu.memref_squeeze %dma_start3A_226 : memref<1x128xi32, #tpu.memory_space<vmem>> -> memref<128xi32, #tpu.memory_space<vmem>>
      %dma_start3A_228 = tpu.memref_slice %arg3[%add3A_24] : memref<16384xi32, #tpu.memory_space<hbm>> -> memref<128xi32, #tpu.memory_space<hbm>>
      %dma_start3A_229 = arith.constant 0 : i32
      %dma_start3A_230 = tpu.memref_slice %arg9[%run_scoped3A_25, %dma_start3A_229] : memref<4x128xi32, #tpu.memory_space<vmem>> -> memref<1x128xi32, #tpu.memory_space<vmem>>
      %dma_start3A_231 = tpu.memref_squeeze %dma_start3A_230 : memref<1x128xi32, #tpu.memory_space<vmem>> -> memref<128xi32, #tpu.memory_space<vmem>>
      %dma_start3A_232 = tpu.memref_slice %arg3[%add3A_24] : memref<16384xi32, #tpu.memory_space<hbm>> -> memref<128xi32, #tpu.memory_space<hbm>>
      tpu.enqueue_dma source(%dma_start3A_232 : memref<128xi32, #tpu.memory_space<hbm>>) target(%dma_start3A_231 : memref<128xi32, #tpu.memory_space<vmem>>) target_semaphore(%run_scoped3A_224 : memref<!tpu.dma_semaphore, #tpu.memory_space<semaphore_mem>>)
      %dma_wait3A_233 = arith.constant 0 : i32
      %dma_wait3A_234 = tpu.memref_slice %arg9[%run_scoped3A_25, %dma_wait3A_233] : memref<4x128xi32, #tpu.memory_space<vmem>> -> memref<1x128xi32, #tpu.memory_space<vmem>>
      %dma_wait3A_235 = tpu.memref_squeeze %dma_wait3A_234 : memref<1x128xi32, #tpu.memory_space<vmem>> -> memref<128xi32, #tpu.memory_space<vmem>>
      %dma_wait3A_236 = tpu.memref_slice %arg3[%add3A_24] : memref<16384xi32, #tpu.memory_space<hbm>> -> memref<128xi32, #tpu.memory_space<hbm>>
      %dma_wait3A_237 = arith.constant 0 : i32
      %dma_wait3A_238 = tpu.memref_slice %arg9[%run_scoped3A_25, %dma_wait3A_237] : memref<4x128xi32, #tpu.memory_space<vmem>> -> memref<1x128xi32, #tpu.memory_space<vmem>>
      %dma_wait3A_239 = tpu.memref_squeeze %dma_wait3A_238 : memref<1x128xi32, #tpu.memory_space<vmem>> -> memref<128xi32, #tpu.memory_space<vmem>>
      %dma_wait3A_240 = tpu.memref_slice %arg3[%add3A_24] : memref<16384xi32, #tpu.memory_space<hbm>> -> memref<128xi32, #tpu.memory_space<hbm>>
      tpu.wait_dma2 semaphore(%run_scoped3A_224 : memref<!tpu.dma_semaphore, #tpu.memory_space<semaphore_mem>>) src(%dma_wait3A_240 : memref<128xi32, #tpu.memory_space<hbm>>) dst(%dma_wait3A_239 : memref<128xi32, #tpu.memory_space<vmem>>)
      tpu.yield
    }) : () -> ()
    %dma_start3A = arith.constant 0 : i32
    %dma_start3A_26 = arith.constant 0 : i32
    %dma_start3A_27 = tpu.memref_slice %arg8[%dma_start3A, %dma_start3A_26] : memref<4x128xi32, #tpu.memory_space<vmem>> -> memref<1x128xi32, #tpu.memory_space<vmem>>
    %dma_start3A_28 = tpu.memref_squeeze %dma_start3A_27 : memref<1x128xi32, #tpu.memory_space<vmem>> -> memref<128xi32, #tpu.memory_space<vmem>>
    %dma_start3A_29 = arith.constant 0 : i32
    %dma_start3A_30 = arith.constant 0 : i32
    %dma_start3A_31 = tpu.memref_slice %arg4[%dma_start3A_29, %dma_start3A_30] : memref<100000x128xf32, #tpu.memory_space<hbm>> -> memref<100000x128xf32, #tpu.memory_space<hbm>>
    tpu.enqueue_indirect_dma source(%dma_start3A_31 : memref<100000x128xf32, #tpu.memory_space<hbm>>) target(%arg10 : memref<128x128xf32, #tpu.memory_space<vmem>>) offsets(%dma_start3A_28 : memref<128xi32, #tpu.memory_space<vmem>>) semaphore(%arg14 : memref<!tpu.dma_semaphore, #tpu.memory_space<semaphore_mem>>)
    %dma_start3A_32 = arith.constant 0 : i32
    %dma_start3A_33 = arith.constant 0 : i32
    %dma_start3A_34 = tpu.memref_slice %arg9[%dma_start3A_32, %dma_start3A_33] : memref<4x128xi32, #tpu.memory_space<vmem>> -> memref<1x128xi32, #tpu.memory_space<vmem>>
    %dma_start3A_35 = tpu.memref_squeeze %dma_start3A_34 : memref<1x128xi32, #tpu.memory_space<vmem>> -> memref<128xi32, #tpu.memory_space<vmem>>
    %dma_start3A_36 = arith.constant 0 : i32
    %dma_start3A_37 = arith.constant 0 : i32
    %dma_start3A_38 = tpu.memref_slice %arg5[%dma_start3A_36, %dma_start3A_37] : memref<1000000x128xf32, #tpu.memory_space<hbm>> -> memref<1000000x128xf32, #tpu.memory_space<hbm>>
    tpu.enqueue_indirect_dma source(%dma_start3A_38 : memref<1000000x128xf32, #tpu.memory_space<hbm>>) target(%arg12 : memref<128x128xf32, #tpu.memory_space<vmem>>) offsets(%dma_start3A_35 : memref<128xi32, #tpu.memory_space<vmem>>) semaphore(%arg14 : memref<!tpu.dma_semaphore, #tpu.memory_space<semaphore_mem>>)
    %dma_start3A_39 = arith.constant 1 : i32
    %dma_start3A_40 = arith.constant 0 : i32
    %dma_start3A_41 = tpu.memref_slice %arg8[%dma_start3A_39, %dma_start3A_40] : memref<4x128xi32, #tpu.memory_space<vmem>> -> memref<1x128xi32, #tpu.memory_space<vmem>>
    %dma_start3A_42 = tpu.memref_squeeze %dma_start3A_41 : memref<1x128xi32, #tpu.memory_space<vmem>> -> memref<128xi32, #tpu.memory_space<vmem>>
    %dma_start3A_43 = arith.constant 0 : i32
    %dma_start3A_44 = arith.constant 0 : i32
    %dma_start3A_45 = tpu.memref_slice %arg4[%dma_start3A_43, %dma_start3A_44] : memref<100000x128xf32, #tpu.memory_space<hbm>> -> memref<100000x128xf32, #tpu.memory_space<hbm>>
    tpu.enqueue_indirect_dma source(%dma_start3A_45 : memref<100000x128xf32, #tpu.memory_space<hbm>>) target(%arg11 : memref<128x128xf32, #tpu.memory_space<vmem>>) offsets(%dma_start3A_42 : memref<128xi32, #tpu.memory_space<vmem>>) semaphore(%arg15 : memref<!tpu.dma_semaphore, #tpu.memory_space<semaphore_mem>>)
    %dma_start3A_46 = arith.constant 1 : i32
    %dma_start3A_47 = arith.constant 0 : i32
    %dma_start3A_48 = tpu.memref_slice %arg9[%dma_start3A_46, %dma_start3A_47] : memref<4x128xi32, #tpu.memory_space<vmem>> -> memref<1x128xi32, #tpu.memory_space<vmem>>
    %dma_start3A_49 = tpu.memref_squeeze %dma_start3A_48 : memref<1x128xi32, #tpu.memory_space<vmem>> -> memref<128xi32, #tpu.memory_space<vmem>>
    %dma_start3A_50 = arith.constant 0 : i32
    %dma_start3A_51 = arith.constant 0 : i32
    %dma_start3A_52 = tpu.memref_slice %arg5[%dma_start3A_50, %dma_start3A_51] : memref<1000000x128xf32, #tpu.memory_space<hbm>> -> memref<1000000x128xf32, #tpu.memory_space<hbm>>
    tpu.enqueue_indirect_dma source(%dma_start3A_52 : memref<1000000x128xf32, #tpu.memory_space<hbm>>) target(%arg13 : memref<128x128xf32, #tpu.memory_space<vmem>>) offsets(%dma_start3A_49 : memref<128xi32, #tpu.memory_space<vmem>>) semaphore(%arg15 : memref<!tpu.dma_semaphore, #tpu.memory_space<semaphore_mem>>)
    %dma_wait3A = arith.constant 0 : i32
    %dma_wait3A_53 = arith.constant 0 : i32
    %dma_wait3A_54 = tpu.memref_slice %arg8[%dma_wait3A, %dma_wait3A_53] : memref<4x128xi32, #tpu.memory_space<vmem>> -> memref<1x128xi32, #tpu.memory_space<vmem>>
    %dma_wait3A_55 = tpu.memref_squeeze %dma_wait3A_54 : memref<1x128xi32, #tpu.memory_space<vmem>> -> memref<128xi32, #tpu.memory_space<vmem>>
    %dma_wait3A_56 = arith.constant 0 : i32
    %dma_wait3A_57 = arith.constant 0 : i32
    %dma_wait3A_58 = tpu.memref_slice %arg4[%dma_wait3A_56, %dma_wait3A_57] : memref<100000x128xf32, #tpu.memory_space<hbm>> -> memref<100000x128xf32, #tpu.memory_space<hbm>>
    tpu.wait_indirect_dma semaphore(%arg14 : memref<!tpu.dma_semaphore, #tpu.memory_space<semaphore_mem>>) src(%dma_wait3A_58 : memref<100000x128xf32, #tpu.memory_space<hbm>>) dst(%arg10 : memref<128x128xf32, #tpu.memory_space<vmem>>)
    %dma_wait3A_59 = arith.constant 0 : i32
    %dma_wait3A_60 = arith.constant 0 : i32
    %dma_wait3A_61 = tpu.memref_slice %arg9[%dma_wait3A_59, %dma_wait3A_60] : memref<4x128xi32, #tpu.memory_space<vmem>> -> memref<1x128xi32, #tpu.memory_space<vmem>>
    %dma_wait3A_62 = tpu.memref_squeeze %dma_wait3A_61 : memref<1x128xi32, #tpu.memory_space<vmem>> -> memref<128xi32, #tpu.memory_space<vmem>>
    %dma_wait3A_63 = arith.constant 0 : i32
    %dma_wait3A_64 = arith.constant 0 : i32
    %dma_wait3A_65 = tpu.memref_slice %arg5[%dma_wait3A_63, %dma_wait3A_64] : memref<1000000x128xf32, #tpu.memory_space<hbm>> -> memref<1000000x128xf32, #tpu.memory_space<hbm>>
    tpu.wait_indirect_dma semaphore(%arg14 : memref<!tpu.dma_semaphore, #tpu.memory_space<semaphore_mem>>) src(%dma_wait3A_65 : memref<1000000x128xf32, #tpu.memory_space<hbm>>) dst(%arg12 : memref<128x128xf32, #tpu.memory_space<vmem>>)
    %add3A_66 = arith.constant 0 : i32
    %add3A_67 = arith.addi %multiple_of3A, %add3A_66 : i32
    %multiple_of3A_68 = tpu.assume_multiple %add3A_67, 128 : i32
    %dma_start3A_69 = arith.constant 0 : i32
    %dma_start3A_70 = tpu.memref_slice %arg6[%multiple_of3A_68, %dma_start3A_69] : memref<16384x128xf32, #tpu.memory_space<hbm>> -> memref<128x128xf32, #tpu.memory_space<hbm>>
    %dma_start3A_71 = arith.constant 0 : i32
    %dma_start3A_72 = tpu.memref_slice %arg6[%multiple_of3A_68, %dma_start3A_71] : memref<16384x128xf32, #tpu.memory_space<hbm>> -> memref<128x128xf32, #tpu.memory_space<hbm>>
    tpu.enqueue_dma source(%arg10 : memref<128x128xf32, #tpu.memory_space<vmem>>) target(%dma_start3A_72 : memref<128x128xf32, #tpu.memory_space<hbm>>) target_semaphore(%arg16 : memref<!tpu.dma_semaphore, #tpu.memory_space<semaphore_mem>>)
    %dma_start3A_73 = arith.constant 0 : i32
    %dma_start3A_74 = tpu.memref_slice %arg7[%multiple_of3A_68, %dma_start3A_73] : memref<16384x128xf32, #tpu.memory_space<hbm>> -> memref<128x128xf32, #tpu.memory_space<hbm>>
    %dma_start3A_75 = arith.constant 0 : i32
    %dma_start3A_76 = tpu.memref_slice %arg7[%multiple_of3A_68, %dma_start3A_75] : memref<16384x128xf32, #tpu.memory_space<hbm>> -> memref<128x128xf32, #tpu.memory_space<hbm>>
    tpu.enqueue_dma source(%arg12 : memref<128x128xf32, #tpu.memory_space<vmem>>) target(%dma_start3A_76 : memref<128x128xf32, #tpu.memory_space<hbm>>) target_semaphore(%arg16 : memref<!tpu.dma_semaphore, #tpu.memory_space<semaphore_mem>>)
    %dma_start3A_77 = arith.constant 2 : i32
    %dma_start3A_78 = arith.constant 0 : i32
    %dma_start3A_79 = tpu.memref_slice %arg8[%dma_start3A_77, %dma_start3A_78] : memref<4x128xi32, #tpu.memory_space<vmem>> -> memref<1x128xi32, #tpu.memory_space<vmem>>
    %dma_start3A_80 = tpu.memref_squeeze %dma_start3A_79 : memref<1x128xi32, #tpu.memory_space<vmem>> -> memref<128xi32, #tpu.memory_space<vmem>>
    %dma_start3A_81 = arith.constant 0 : i32
    %dma_start3A_82 = arith.constant 0 : i32
    %dma_start3A_83 = tpu.memref_slice %arg4[%dma_start3A_81, %dma_start3A_82] : memref<100000x128xf32, #tpu.memory_space<hbm>> -> memref<100000x128xf32, #tpu.memory_space<hbm>>
    tpu.enqueue_indirect_dma source(%dma_start3A_83 : memref<100000x128xf32, #tpu.memory_space<hbm>>) target(%arg10 : memref<128x128xf32, #tpu.memory_space<vmem>>) offsets(%dma_start3A_80 : memref<128xi32, #tpu.memory_space<vmem>>) semaphore(%arg14 : memref<!tpu.dma_semaphore, #tpu.memory_space<semaphore_mem>>)
    %dma_start3A_84 = arith.constant 2 : i32
    %dma_start3A_85 = arith.constant 0 : i32
    %dma_start3A_86 = tpu.memref_slice %arg9[%dma_start3A_84, %dma_start3A_85] : memref<4x128xi32, #tpu.memory_space<vmem>> -> memref<1x128xi32, #tpu.memory_space<vmem>>
    %dma_start3A_87 = tpu.memref_squeeze %dma_start3A_86 : memref<1x128xi32, #tpu.memory_space<vmem>> -> memref<128xi32, #tpu.memory_space<vmem>>
    %dma_start3A_88 = arith.constant 0 : i32
    %dma_start3A_89 = arith.constant 0 : i32
    %dma_start3A_90 = tpu.memref_slice %arg5[%dma_start3A_88, %dma_start3A_89] : memref<1000000x128xf32, #tpu.memory_space<hbm>> -> memref<1000000x128xf32, #tpu.memory_space<hbm>>
    tpu.enqueue_indirect_dma source(%dma_start3A_90 : memref<1000000x128xf32, #tpu.memory_space<hbm>>) target(%arg12 : memref<128x128xf32, #tpu.memory_space<vmem>>) offsets(%dma_start3A_87 : memref<128xi32, #tpu.memory_space<vmem>>) semaphore(%arg14 : memref<!tpu.dma_semaphore, #tpu.memory_space<semaphore_mem>>)
    %dma_wait3A_91 = arith.constant 1 : i32
    %dma_wait3A_92 = arith.constant 0 : i32
    %dma_wait3A_93 = tpu.memref_slice %arg8[%dma_wait3A_91, %dma_wait3A_92] : memref<4x128xi32, #tpu.memory_space<vmem>> -> memref<1x128xi32, #tpu.memory_space<vmem>>
    %dma_wait3A_94 = tpu.memref_squeeze %dma_wait3A_93 : memref<1x128xi32, #tpu.memory_space<vmem>> -> memref<128xi32, #tpu.memory_space<vmem>>
    %dma_wait3A_95 = arith.constant 0 : i32
    %dma_wait3A_96 = arith.constant 0 : i32
    %dma_wait3A_97 = tpu.memref_slice %arg4[%dma_wait3A_95, %dma_wait3A_96] : memref<100000x128xf32, #tpu.memory_space<hbm>> -> memref<100000x128xf32, #tpu.memory_space<hbm>>
    tpu.wait_indirect_dma semaphore(%arg15 : memref<!tpu.dma_semaphore, #tpu.memory_space<semaphore_mem>>) src(%dma_wait3A_97 : memref<100000x128xf32, #tpu.memory_space<hbm>>) dst(%arg11 : memref<128x128xf32, #tpu.memory_space<vmem>>)
    %dma_wait3A_98 = arith.constant 1 : i32
    %dma_wait3A_99 = arith.constant 0 : i32
    %dma_wait3A_100 = tpu.memref_slice %arg9[%dma_wait3A_98, %dma_wait3A_99] : memref<4x128xi32, #tpu.memory_space<vmem>> -> memref<1x128xi32, #tpu.memory_space<vmem>>
    %dma_wait3A_101 = tpu.memref_squeeze %dma_wait3A_100 : memref<1x128xi32, #tpu.memory_space<vmem>> -> memref<128xi32, #tpu.memory_space<vmem>>
    %dma_wait3A_102 = arith.constant 0 : i32
    %dma_wait3A_103 = arith.constant 0 : i32
    %dma_wait3A_104 = tpu.memref_slice %arg5[%dma_wait3A_102, %dma_wait3A_103] : memref<1000000x128xf32, #tpu.memory_space<hbm>> -> memref<1000000x128xf32, #tpu.memory_space<hbm>>
    tpu.wait_indirect_dma semaphore(%arg15 : memref<!tpu.dma_semaphore, #tpu.memory_space<semaphore_mem>>) src(%dma_wait3A_104 : memref<1000000x128xf32, #tpu.memory_space<hbm>>) dst(%arg13 : memref<128x128xf32, #tpu.memory_space<vmem>>)
    %add3A_105 = arith.constant 128 : i32
    %add3A_106 = arith.addi %multiple_of3A, %add3A_105 : i32
    %multiple_of3A_107 = tpu.assume_multiple %add3A_106, 128 : i32
    %dma_start3A_108 = arith.constant 0 : i32
    %dma_start3A_109 = tpu.memref_slice %arg6[%multiple_of3A_107, %dma_start3A_108] : memref<16384x128xf32, #tpu.memory_space<hbm>> -> memref<128x128xf32, #tpu.memory_space<hbm>>
    %dma_start3A_110 = arith.constant 0 : i32
    %dma_start3A_111 = tpu.memref_slice %arg6[%multiple_of3A_107, %dma_start3A_110] : memref<16384x128xf32, #tpu.memory_space<hbm>> -> memref<128x128xf32, #tpu.memory_space<hbm>>
    tpu.enqueue_dma source(%arg11 : memref<128x128xf32, #tpu.memory_space<vmem>>) target(%dma_start3A_111 : memref<128x128xf32, #tpu.memory_space<hbm>>) target_semaphore(%arg17 : memref<!tpu.dma_semaphore, #tpu.memory_space<semaphore_mem>>)
    %dma_start3A_112 = arith.constant 0 : i32
    %dma_start3A_113 = tpu.memref_slice %arg7[%multiple_of3A_107, %dma_start3A_112] : memref<16384x128xf32, #tpu.memory_space<hbm>> -> memref<128x128xf32, #tpu.memory_space<hbm>>
    %dma_start3A_114 = arith.constant 0 : i32
    %dma_start3A_115 = tpu.memref_slice %arg7[%multiple_of3A_107, %dma_start3A_114] : memref<16384x128xf32, #tpu.memory_space<hbm>> -> memref<128x128xf32, #tpu.memory_space<hbm>>
    tpu.enqueue_dma source(%arg13 : memref<128x128xf32, #tpu.memory_space<vmem>>) target(%dma_start3A_115 : memref<128x128xf32, #tpu.memory_space<hbm>>) target_semaphore(%arg17 : memref<!tpu.dma_semaphore, #tpu.memory_space<semaphore_mem>>)
    %dma_start3A_116 = arith.constant 3 : i32
    %dma_start3A_117 = arith.constant 0 : i32
    %dma_start3A_118 = tpu.memref_slice %arg8[%dma_start3A_116, %dma_start3A_117] : memref<4x128xi32, #tpu.memory_space<vmem>> -> memref<1x128xi32, #tpu.memory_space<vmem>>
    %dma_start3A_119 = tpu.memref_squeeze %dma_start3A_118 : memref<1x128xi32, #tpu.memory_space<vmem>> -> memref<128xi32, #tpu.memory_space<vmem>>
    %dma_start3A_120 = arith.constant 0 : i32
    %dma_start3A_121 = arith.constant 0 : i32
    %dma_start3A_122 = tpu.memref_slice %arg4[%dma_start3A_120, %dma_start3A_121] : memref<100000x128xf32, #tpu.memory_space<hbm>> -> memref<100000x128xf32, #tpu.memory_space<hbm>>
    tpu.enqueue_indirect_dma source(%dma_start3A_122 : memref<100000x128xf32, #tpu.memory_space<hbm>>) target(%arg11 : memref<128x128xf32, #tpu.memory_space<vmem>>) offsets(%dma_start3A_119 : memref<128xi32, #tpu.memory_space<vmem>>) semaphore(%arg15 : memref<!tpu.dma_semaphore, #tpu.memory_space<semaphore_mem>>)
    %dma_start3A_123 = arith.constant 3 : i32
    %dma_start3A_124 = arith.constant 0 : i32
    %dma_start3A_125 = tpu.memref_slice %arg9[%dma_start3A_123, %dma_start3A_124] : memref<4x128xi32, #tpu.memory_space<vmem>> -> memref<1x128xi32, #tpu.memory_space<vmem>>
    %dma_start3A_126 = tpu.memref_squeeze %dma_start3A_125 : memref<1x128xi32, #tpu.memory_space<vmem>> -> memref<128xi32, #tpu.memory_space<vmem>>
    %dma_start3A_127 = arith.constant 0 : i32
    %dma_start3A_128 = arith.constant 0 : i32
    %dma_start3A_129 = tpu.memref_slice %arg5[%dma_start3A_127, %dma_start3A_128] : memref<1000000x128xf32, #tpu.memory_space<hbm>> -> memref<1000000x128xf32, #tpu.memory_space<hbm>>
    tpu.enqueue_indirect_dma source(%dma_start3A_129 : memref<1000000x128xf32, #tpu.memory_space<hbm>>) target(%arg13 : memref<128x128xf32, #tpu.memory_space<vmem>>) offsets(%dma_start3A_126 : memref<128xi32, #tpu.memory_space<vmem>>) semaphore(%arg15 : memref<!tpu.dma_semaphore, #tpu.memory_space<semaphore_mem>>)
    %add3A_130 = arith.constant 0 : i32
    %add3A_131 = arith.addi %multiple_of3A, %add3A_130 : i32
    %multiple_of3A_132 = tpu.assume_multiple %add3A_131, 128 : i32
    %dma_wait3A_133 = arith.constant 0 : i32
    %dma_wait3A_134 = tpu.memref_slice %arg6[%multiple_of3A_132, %dma_wait3A_133] : memref<16384x128xf32, #tpu.memory_space<hbm>> -> memref<128x128xf32, #tpu.memory_space<hbm>>
    %dma_wait3A_135 = arith.constant 0 : i32
    %dma_wait3A_136 = tpu.memref_slice %arg6[%multiple_of3A_132, %dma_wait3A_135] : memref<16384x128xf32, #tpu.memory_space<hbm>> -> memref<128x128xf32, #tpu.memory_space<hbm>>
    tpu.wait_dma2 semaphore(%arg16 : memref<!tpu.dma_semaphore, #tpu.memory_space<semaphore_mem>>) src(%arg10 : memref<128x128xf32, #tpu.memory_space<vmem>>) dst(%dma_wait3A_136 : memref<128x128xf32, #tpu.memory_space<hbm>>)
    %dma_wait3A_137 = arith.constant 0 : i32
    %dma_wait3A_138 = tpu.memref_slice %arg7[%multiple_of3A_132, %dma_wait3A_137] : memref<16384x128xf32, #tpu.memory_space<hbm>> -> memref<128x128xf32, #tpu.memory_space<hbm>>
    %dma_wait3A_139 = arith.constant 0 : i32
    %dma_wait3A_140 = tpu.memref_slice %arg7[%multiple_of3A_132, %dma_wait3A_139] : memref<16384x128xf32, #tpu.memory_space<hbm>> -> memref<128x128xf32, #tpu.memory_space<hbm>>
    tpu.wait_dma2 semaphore(%arg16 : memref<!tpu.dma_semaphore, #tpu.memory_space<semaphore_mem>>) src(%arg12 : memref<128x128xf32, #tpu.memory_space<vmem>>) dst(%dma_wait3A_140 : memref<128x128xf32, #tpu.memory_space<hbm>>)
    %dma_wait3A_141 = arith.constant 2 : i32
    %dma_wait3A_142 = arith.constant 0 : i32
    %dma_wait3A_143 = tpu.memref_slice %arg8[%dma_wait3A_141, %dma_wait3A_142] : memref<4x128xi32, #tpu.memory_space<vmem>> -> memref<1x128xi32, #tpu.memory_space<vmem>>
    %dma_wait3A_144 = tpu.memref_squeeze %dma_wait3A_143 : memref<1x128xi32, #tpu.memory_space<vmem>> -> memref<128xi32, #tpu.memory_space<vmem>>
    %dma_wait3A_145 = arith.constant 0 : i32
    %dma_wait3A_146 = arith.constant 0 : i32
    %dma_wait3A_147 = tpu.memref_slice %arg4[%dma_wait3A_145, %dma_wait3A_146] : memref<100000x128xf32, #tpu.memory_space<hbm>> -> memref<100000x128xf32, #tpu.memory_space<hbm>>
    tpu.wait_indirect_dma semaphore(%arg14 : memref<!tpu.dma_semaphore, #tpu.memory_space<semaphore_mem>>) src(%dma_wait3A_147 : memref<100000x128xf32, #tpu.memory_space<hbm>>) dst(%arg10 : memref<128x128xf32, #tpu.memory_space<vmem>>)
    %dma_wait3A_148 = arith.constant 2 : i32
    %dma_wait3A_149 = arith.constant 0 : i32
    %dma_wait3A_150 = tpu.memref_slice %arg9[%dma_wait3A_148, %dma_wait3A_149] : memref<4x128xi32, #tpu.memory_space<vmem>> -> memref<1x128xi32, #tpu.memory_space<vmem>>
    %dma_wait3A_151 = tpu.memref_squeeze %dma_wait3A_150 : memref<1x128xi32, #tpu.memory_space<vmem>> -> memref<128xi32, #tpu.memory_space<vmem>>
    %dma_wait3A_152 = arith.constant 0 : i32
    %dma_wait3A_153 = arith.constant 0 : i32
    %dma_wait3A_154 = tpu.memref_slice %arg5[%dma_wait3A_152, %dma_wait3A_153] : memref<1000000x128xf32, #tpu.memory_space<hbm>> -> memref<1000000x128xf32, #tpu.memory_space<hbm>>
    tpu.wait_indirect_dma semaphore(%arg14 : memref<!tpu.dma_semaphore, #tpu.memory_space<semaphore_mem>>) src(%dma_wait3A_154 : memref<1000000x128xf32, #tpu.memory_space<hbm>>) dst(%arg12 : memref<128x128xf32, #tpu.memory_space<vmem>>)
    %add3A_155 = arith.constant 256 : i32
    %add3A_156 = arith.addi %multiple_of3A, %add3A_155 : i32
    %multiple_of3A_157 = tpu.assume_multiple %add3A_156, 128 : i32
    %dma_start3A_158 = arith.constant 0 : i32
    %dma_start3A_159 = tpu.memref_slice %arg6[%multiple_of3A_157, %dma_start3A_158] : memref<16384x128xf32, #tpu.memory_space<hbm>> -> memref<128x128xf32, #tpu.memory_space<hbm>>
    %dma_start3A_160 = arith.constant 0 : i32
    %dma_start3A_161 = tpu.memref_slice %arg6[%multiple_of3A_157, %dma_start3A_160] : memref<16384x128xf32, #tpu.memory_space<hbm>> -> memref<128x128xf32, #tpu.memory_space<hbm>>
    tpu.enqueue_dma source(%arg10 : memref<128x128xf32, #tpu.memory_space<vmem>>) target(%dma_start3A_161 : memref<128x128xf32, #tpu.memory_space<hbm>>) target_semaphore(%arg16 : memref<!tpu.dma_semaphore, #tpu.memory_space<semaphore_mem>>)
    %dma_start3A_162 = arith.constant 0 : i32
    %dma_start3A_163 = tpu.memref_slice %arg7[%multiple_of3A_157, %dma_start3A_162] : memref<16384x128xf32, #tpu.memory_space<hbm>> -> memref<128x128xf32, #tpu.memory_space<hbm>>
    %dma_start3A_164 = arith.constant 0 : i32
    %dma_start3A_165 = tpu.memref_slice %arg7[%multiple_of3A_157, %dma_start3A_164] : memref<16384x128xf32, #tpu.memory_space<hbm>> -> memref<128x128xf32, #tpu.memory_space<hbm>>
    tpu.enqueue_dma source(%arg12 : memref<128x128xf32, #tpu.memory_space<vmem>>) target(%dma_start3A_165 : memref<128x128xf32, #tpu.memory_space<hbm>>) target_semaphore(%arg16 : memref<!tpu.dma_semaphore, #tpu.memory_space<semaphore_mem>>)
    %add3A_166 = arith.constant 128 : i32
    %add3A_167 = arith.addi %multiple_of3A, %add3A_166 : i32
    %multiple_of3A_168 = tpu.assume_multiple %add3A_167, 128 : i32
    %dma_wait3A_169 = arith.constant 0 : i32
    %dma_wait3A_170 = tpu.memref_slice %arg6[%multiple_of3A_168, %dma_wait3A_169] : memref<16384x128xf32, #tpu.memory_space<hbm>> -> memref<128x128xf32, #tpu.memory_space<hbm>>
    %dma_wait3A_171 = arith.constant 0 : i32
    %dma_wait3A_172 = tpu.memref_slice %arg6[%multiple_of3A_168, %dma_wait3A_171] : memref<16384x128xf32, #tpu.memory_space<hbm>> -> memref<128x128xf32, #tpu.memory_space<hbm>>
    tpu.wait_dma2 semaphore(%arg17 : memref<!tpu.dma_semaphore, #tpu.memory_space<semaphore_mem>>) src(%arg11 : memref<128x128xf32, #tpu.memory_space<vmem>>) dst(%dma_wait3A_172 : memref<128x128xf32, #tpu.memory_space<hbm>>)
    %dma_wait3A_173 = arith.constant 0 : i32
    %dma_wait3A_174 = tpu.memref_slice %arg7[%multiple_of3A_168, %dma_wait3A_173] : memref<16384x128xf32, #tpu.memory_space<hbm>> -> memref<128x128xf32, #tpu.memory_space<hbm>>
    %dma_wait3A_175 = arith.constant 0 : i32
    %dma_wait3A_176 = tpu.memref_slice %arg7[%multiple_of3A_168, %dma_wait3A_175] : memref<16384x128xf32, #tpu.memory_space<hbm>> -> memref<128x128xf32, #tpu.memory_space<hbm>>
    tpu.wait_dma2 semaphore(%arg17 : memref<!tpu.dma_semaphore, #tpu.memory_space<semaphore_mem>>) src(%arg13 : memref<128x128xf32, #tpu.memory_space<vmem>>) dst(%dma_wait3A_176 : memref<128x128xf32, #tpu.memory_space<hbm>>)
    %dma_wait3A_177 = arith.constant 3 : i32
    %dma_wait3A_178 = arith.constant 0 : i32
    %dma_wait3A_179 = tpu.memref_slice %arg8[%dma_wait3A_177, %dma_wait3A_178] : memref<4x128xi32, #tpu.memory_space<vmem>> -> memref<1x128xi32, #tpu.memory_space<vmem>>
    %dma_wait3A_180 = tpu.memref_squeeze %dma_wait3A_179 : memref<1x128xi32, #tpu.memory_space<vmem>> -> memref<128xi32, #tpu.memory_space<vmem>>
    %dma_wait3A_181 = arith.constant 0 : i32
    %dma_wait3A_182 = arith.constant 0 : i32
    %dma_wait3A_183 = tpu.memref_slice %arg4[%dma_wait3A_181, %dma_wait3A_182] : memref<100000x128xf32, #tpu.memory_space<hbm>> -> memref<100000x128xf32, #tpu.memory_space<hbm>>
    tpu.wait_indirect_dma semaphore(%arg15 : memref<!tpu.dma_semaphore, #tpu.memory_space<semaphore_mem>>) src(%dma_wait3A_183 : memref<100000x128xf32, #tpu.memory_space<hbm>>) dst(%arg11 : memref<128x128xf32, #tpu.memory_space<vmem>>)
    %dma_wait3A_184 = arith.constant 3 : i32
    %dma_wait3A_185 = arith.constant 0 : i32
    %dma_wait3A_186 = tpu.memref_slice %arg9[%dma_wait3A_184, %dma_wait3A_185] : memref<4x128xi32, #tpu.memory_space<vmem>> -> memref<1x128xi32, #tpu.memory_space<vmem>>
    %dma_wait3A_187 = tpu.memref_squeeze %dma_wait3A_186 : memref<1x128xi32, #tpu.memory_space<vmem>> -> memref<128xi32, #tpu.memory_space<vmem>>
    %dma_wait3A_188 = arith.constant 0 : i32
    %dma_wait3A_189 = arith.constant 0 : i32
    %dma_wait3A_190 = tpu.memref_slice %arg5[%dma_wait3A_188, %dma_wait3A_189] : memref<1000000x128xf32, #tpu.memory_space<hbm>> -> memref<1000000x128xf32, #tpu.memory_space<hbm>>
    tpu.wait_indirect_dma semaphore(%arg15 : memref<!tpu.dma_semaphore, #tpu.memory_space<semaphore_mem>>) src(%dma_wait3A_190 : memref<1000000x128xf32, #tpu.memory_space<hbm>>) dst(%arg13 : memref<128x128xf32, #tpu.memory_space<vmem>>)
    %add3A_191 = arith.constant 384 : i32
    %add3A_192 = arith.addi %multiple_of3A, %add3A_191 : i32
    %multiple_of3A_193 = tpu.assume_multiple %add3A_192, 128 : i32
    %dma_start3A_194 = arith.constant 0 : i32
    %dma_start3A_195 = tpu.memref_slice %arg6[%multiple_of3A_193, %dma_start3A_194] : memref<16384x128xf32, #tpu.memory_space<hbm>> -> memref<128x128xf32, #tpu.memory_space<hbm>>
    %dma_start3A_196 = arith.constant 0 : i32
    %dma_start3A_197 = tpu.memref_slice %arg6[%multiple_of3A_193, %dma_start3A_196] : memref<16384x128xf32, #tpu.memory_space<hbm>> -> memref<128x128xf32, #tpu.memory_space<hbm>>
    tpu.enqueue_dma source(%arg11 : memref<128x128xf32, #tpu.memory_space<vmem>>) target(%dma_start3A_197 : memref<128x128xf32, #tpu.memory_space<hbm>>) target_semaphore(%arg17 : memref<!tpu.dma_semaphore, #tpu.memory_space<semaphore_mem>>)
    %dma_start3A_198 = arith.constant 0 : i32
    %dma_start3A_199 = tpu.memref_slice %arg7[%multiple_of3A_193, %dma_start3A_198] : memref<16384x128xf32, #tpu.memory_space<hbm>> -> memref<128x128xf32, #tpu.memory_space<hbm>>
    %dma_start3A_200 = arith.constant 0 : i32
    %dma_start3A_201 = tpu.memref_slice %arg7[%multiple_of3A_193, %dma_start3A_200] : memref<16384x128xf32, #tpu.memory_space<hbm>> -> memref<128x128xf32, #tpu.memory_space<hbm>>
    tpu.enqueue_dma source(%arg13 : memref<128x128xf32, #tpu.memory_space<vmem>>) target(%dma_start3A_201 : memref<128x128xf32, #tpu.memory_space<hbm>>) target_semaphore(%arg17 : memref<!tpu.dma_semaphore, #tpu.memory_space<semaphore_mem>>)
    %add3A_202 = arith.constant 256 : i32
    %add3A_203 = arith.addi %multiple_of3A, %add3A_202 : i32
    %multiple_of3A_204 = tpu.assume_multiple %add3A_203, 128 : i32
    %dma_wait3A_205 = arith.constant 0 : i32
    %dma_wait3A_206 = tpu.memref_slice %arg6[%multiple_of3A_204, %dma_wait3A_205] : memref<16384x128xf32, #tpu.memory_space<hbm>> -> memref<128x128xf32, #tpu.memory_space<hbm>>
    %dma_wait3A_207 = arith.constant 0 : i32
    %dma_wait3A_208 = tpu.memref_slice %arg6[%multiple_of3A_204, %dma_wait3A_207] : memref<16384x128xf32, #tpu.memory_space<hbm>> -> memref<128x128xf32, #tpu.memory_space<hbm>>
    tpu.wait_dma2 semaphore(%arg16 : memref<!tpu.dma_semaphore, #tpu.memory_space<semaphore_mem>>) src(%arg10 : memref<128x128xf32, #tpu.memory_space<vmem>>) dst(%dma_wait3A_208 : memref<128x128xf32, #tpu.memory_space<hbm>>)
    %dma_wait3A_209 = arith.constant 0 : i32
    %dma_wait3A_210 = tpu.memref_slice %arg7[%multiple_of3A_204, %dma_wait3A_209] : memref<16384x128xf32, #tpu.memory_space<hbm>> -> memref<128x128xf32, #tpu.memory_space<hbm>>
    %dma_wait3A_211 = arith.constant 0 : i32
    %dma_wait3A_212 = tpu.memref_slice %arg7[%multiple_of3A_204, %dma_wait3A_211] : memref<16384x128xf32, #tpu.memory_space<hbm>> -> memref<128x128xf32, #tpu.memory_space<hbm>>
    tpu.wait_dma2 semaphore(%arg16 : memref<!tpu.dma_semaphore, #tpu.memory_space<semaphore_mem>>) src(%arg12 : memref<128x128xf32, #tpu.memory_space<vmem>>) dst(%dma_wait3A_212 : memref<128x128xf32, #tpu.memory_space<hbm>>)
    %add3A_213 = arith.constant 384 : i32
    %add3A_214 = arith.addi %multiple_of3A, %add3A_213 : i32
    %multiple_of3A_215 = tpu.assume_multiple %add3A_214, 128 : i32
    %dma_wait3A_216 = arith.constant 0 : i32
    %dma_wait3A_217 = tpu.memref_slice %arg6[%multiple_of3A_215, %dma_wait3A_216] : memref<16384x128xf32, #tpu.memory_space<hbm>> -> memref<128x128xf32, #tpu.memory_space<hbm>>
    %dma_wait3A_218 = arith.constant 0 : i32
    %dma_wait3A_219 = tpu.memref_slice %arg6[%multiple_of3A_215, %dma_wait3A_218] : memref<16384x128xf32, #tpu.memory_space<hbm>> -> memref<128x128xf32, #tpu.memory_space<hbm>>
    tpu.wait_dma2 semaphore(%arg17 : memref<!tpu.dma_semaphore, #tpu.memory_space<semaphore_mem>>) src(%arg11 : memref<128x128xf32, #tpu.memory_space<vmem>>) dst(%dma_wait3A_219 : memref<128x128xf32, #tpu.memory_space<hbm>>)
    %dma_wait3A_220 = arith.constant 0 : i32
    %dma_wait3A_221 = tpu.memref_slice %arg7[%multiple_of3A_215, %dma_wait3A_220] : memref<16384x128xf32, #tpu.memory_space<hbm>> -> memref<128x128xf32, #tpu.memory_space<hbm>>
    %dma_wait3A_222 = arith.constant 0 : i32
    %dma_wait3A_223 = tpu.memref_slice %arg7[%multiple_of3A_215, %dma_wait3A_222] : memref<16384x128xf32, #tpu.memory_space<hbm>> -> memref<128x128xf32, #tpu.memory_space<hbm>>
    tpu.wait_dma2 semaphore(%arg17 : memref<!tpu.dma_semaphore, #tpu.memory_space<semaphore_mem>>) src(%arg13 : memref<128x128xf32, #tpu.memory_space<vmem>>) dst(%dma_wait3A_223 : memref<128x128xf32, #tpu.memory_space<hbm>>)
    return
  }
}

module attributes {stable_mosaic.version = 14 : i64} {
  func.func @_loss_body(%arg0: memref<16384x128xf32, #tpu.memory_space<vmem>>, %arg1: memref<16384x128xf32, #tpu.memory_space<vmem>>, %arg2: memref<1x1xf32, #tpu.memory_space<smem>>) attributes {dimension_semantics = [], scalar_prefetch = 0 : i64, scratch_operands = 0 : i64, tpu.core_type = #tpu.core_type<tc>} {
    %get3A = arith.constant 0 : index
    %get3A_0 = arith.constant 0 : index
    %get3A_1 = vector.load %arg0[%get3A, %get3A_0] : memref<16384x128xf32, #tpu.memory_space<vmem>>, vector<16384x64xf32>
    %get3A_2 = arith.constant 0 : index
    %get3A_3 = arith.constant 0 : index
    %get3A_4 = vector.load %arg1[%get3A_2, %get3A_3] : memref<16384x128xf32, #tpu.memory_space<vmem>>, vector<16384x64xf32>
    %mul3A = arith.mulf %get3A_1, %get3A_4 : vector<16384x64xf32>
    %max3A = arith.constant 0.000000e+00 : f32
    %max3A_5 = vector.broadcast %max3A : f32 to vector<16384x64xf32>
    %max3A_6 = arith.maximumf %mul3A, %max3A_5 : vector<16384x64xf32>
    %abs3A = math.absf %mul3A : vector<16384x64xf32>
    %neg3A = arith.constant 0.000000e+00 : f32
    %neg3A_7 = vector.broadcast %neg3A : f32 to vector<16384x64xf32>
    %neg3A_8 = arith.subf %neg3A_7, %abs3A : vector<16384x64xf32>
    %exp3A = math.exp %neg3A_8 : vector<16384x64xf32>
    %log1p3A = math.log1p %exp3A : vector<16384x64xf32>
    %add3A = arith.addf %max3A_6, %log1p3A : vector<16384x64xf32>
    %reduce_sum3A = vector.shape_cast %add3A : vector<16384x64xf32> to vector<1x16384x64xf32>
    %reduce_sum3A_9 = arith.constant dense<0.000000e+00> : vector<1xf32>
    %reduce_sum3A_10 = vector.multi_reduction <add>, %reduce_sum3A, %reduce_sum3A_9 [1, 2] : vector<1x16384x64xf32> to vector<1xf32>
    %reduce_sum3A_11 = vector.shape_cast %reduce_sum3A_10 : vector<1xf32> to vector<1x1x1xf32>
    %reduce_sum3A_12 = vector.extract %reduce_sum3A_11[0, 0, 0] : f32 from vector<1x1x1xf32>
    %div3A = arith.constant 0x49800000 : f32
    %div3A_13 = arith.divf %reduce_sum3A_12, %div3A : f32
    %swap3A = arith.constant 0 : index
    %swap3A_14 = arith.constant 0 : index
    %swap3A_15 = memref.load %arg2[%swap3A, %swap3A_14] : memref<1x1xf32, #tpu.memory_space<smem>>
    memref.store %div3A_13, %arg2[%swap3A, %swap3A_14] : memref<1x1xf32, #tpu.memory_space<smem>>
    return
  }
}

</mosaic_0001>

<sc_bundles>
// kernel: kernel.4.cloned.1.call-start
scs
__scs_entry_jumppad:
0x0: {  	(pc) =	sbr.rel $0x88, $3  }
0x1: {  	(tag) =	ssettag $0x0;
	lr =	simm.s32 $0x1  }
0x2: {  	[smem:$0x3F9D] =	sst lr;
	_ =	strace $0xD0000000  }
0x3: {  	_ = 	snop  }
0x4: {  	_ = 	snop  }
0x5: {  	_ = 	snop  }
0x6: {  	_ = 	snop  }
0x7: {  	_ = 	snop  }
__scs_overlays_trampoline_lowered:
0x8: {  	[smem:$0x3FAC] =	sst s0  }
0x9: {  	[smem:$0x3FAD] =	sst s1  }
0xa: {  	[smem:$0x3FAE] =	sst s2  }
0xb: {  	[smem:$0x3FAF] =	sst s3  }
0xc: {  	[smem:$0x3FB0] =	sst s4  }
0xd: {  	[smem:$0x3FB1] =	sst s5  }
0xe: {  	[smem:$0x3FB2] =	sst s6  }
0xf: {  	[smem:$0x3FB3] =	sst s7  }
0x10: {  	[smem:$0x3FB4] =	sst s8  }
0x11: {  	[smem:$0x3FB5] =	sst s9;
	s0 =	simm.s32 @!p0 $0x0  }
0x12: {  	s1 =	sld [smem:$0x3F9B];
	s0 =	simm.s32 @p0 $0x1  }
0x13: {  	[smem:$0x3FB6] =	sst s0;
	s0 =	simm.s32 @!p1 $0x0  }
0x14: {  	s2 =	sld [smem:$0x3F9A];
	s0 =	simm.s32 @p1 $0x1  }
0x15: {  	[smem:$0x3FB7] =	sst s0;
	s0 =	simm.s32 @!p2 $0x0  }
0x16: {  	s3 =	sld [smem:$0x3FDB];
	s0 =	simm.s32 @p2 $0x1  }
0x17: {  	s4 =	simm.s32 $0x1BF5;
	[smem:$0x3FB9] =	sst s0  }
0x18: {  	s0 =	sld [smem:$0x3F9C];
	_ =	swait.ge [sflag:s4], $0x0  }
0x19: {  	s7 =	sld [smem:$0x3F9D]  }
0x1a: {  	s8 =	sadd.s32 $0xFFFFE003, lr  }
0x1b: {  	s9 =	sadd.s32 $0xFFFFFEF7, lr;
	s5 =	simm.s32 $0xFFFFFFFF;
	p2 =	slt.u32 s8, $0xFFFFF086  }
0x1c: {  	p1 =	slt.u32 s9, $0xF7A;
	s5 =	simm.s32 @!p2 $0x0  }
0x1d: {  	s5 =	simm.s32 @p1 $0x1;
	p0 =	seq.s32 s7, s2  }
0x1e: {  	s7 =	smul.u32 @!p0 $0xF7A, s2;
	p2 =	seq.s32 @!p0 s5, $0x0  }
0x1f: {  	s9 =	smul.u32 $0xF7A, s1;
	s8 =	simm.s32 @!p0 $0x1BF5;
	p2 =	por !p2, p0  }
0x20: {  	[sflag:s8] =	ssyncset.s32 @!p0 $0xFFFFF086;
	s6 =	sadd.s32 @!p0 s3, s7;
	s7 =	simm.s32 @!p0 $0x108  }
0x21: {  	s3 =	sadd.s32 s3, s9;
	s6 =	sadd.s32 @!p0 $0x88, s6;
	s7 =	simm.s32 @p2 $0x1082  }
0x22: {  	[simem:s7], [sflag:s8] =	dma.local @!p0 [hbm:s6], $0xF7A  }
0x23: {  	s9 =	sor.u32 $0xD0000000, s2;
	s6 =	simm.s32 $0x108;
	_ =	swait.ge @!p0 [sflag:s8], $0x0  }
0x24: {  	s3 =	sadd.s32 $0x88, s3;
	s6 =	simm.s32 @!p1 $0x1082;
	[sflag:s4] =	ssyncset.s32 $0xFFFFF086  }
0x25: {  	[simem:s6], [sflag:s4] =	dma.local [hbm:s3], $0xF7A  }
0x26: {  	[smem:$0x3F9D] =	sst s1;
	(tag) =	ssettag s2;
	_ =	strace s9  }
0x27: {  	s1 =	sld [smem:$0x3FAD]  }
0x28: {  	s2 =	sld [smem:$0x3FAE]  }
0x29: {  	s4 =	sld [smem:$0x3FB0]  }
0x2a: {  	p0 =	seq.s32 s5, $0x0;
	s5 =	sld [smem:$0x3FB1]  }
0x2b: {  	s6 =	sld [smem:$0x3FB2]  }
0x2c: {  	s7 =	sld [smem:$0x3FB3]  }
0x2d: {  	s3 =	simm.s32 $0x108;
	s8 =	sld [smem:$0x3FB4]  }
0x2e: {  	s3 =	simm.s32 @!p0 $0x1082;
	s9 =	sld [smem:$0x3FB5]  }
0x2f: {  	lr =	sadd.s32 s0, s3;
	s0 =	sld [smem:$0x3FAC]  }
0x30: {  	s3 =	sld [smem:$0x3FAF]  }
0x31: {  	[smem:$0x3FB8] =	sst s10  }
0x32: {  	s10 =	sld [smem:$0x3FB6];
	_ =	sdelay $0x3  }
0x33: {  	p0 =	seq.s32 s10, $0x1;
	s10 =	sld [smem:$0x3FB8];
	_ =	sdelay $0x3  }
0x34: {  	[smem:$0x3FB8] =	sst s10  }
0x35: {  	s10 =	sld [smem:$0x3FB7];
	_ =	sdelay $0x3  }
0x36: {  	p1 =	seq.s32 s10, $0x1;
	s10 =	sld [smem:$0x3FB8];
	_ =	sdelay $0x3  }
0x37: {  	[smem:$0x3FB8] =	sst s10  }
0x38: {  	s10 =	sld [smem:$0x3FB9]  }
0x39: {  	_ = 	snop;
	(pc) =	sbr.ind lr, $3  }
0x3a: {  	_ = 	snop  }
0x3b: {  	_ = 	snop  }
0x3c: {  	p2 =	seq.s32 s10, $0x1;
	s10 =	sld [smem:$0x3FB8]  }
0x3d: {  	_ =	shalt  }
0x3e: {  	_ =	shalt  }
0x3f: {  	_ =	shalt  }
0x40: {  	_ =	shalt  }
0x41: {  	_ =	shalt  }
0x42: {  	_ =	shalt  }
0x43: {  	_ =	shalt  }
0x44: {  	_ =	shalt  }
0x45: {  	_ =	shalt  }
0x46: {  	_ =	shalt  }
0x47: {  	_ =	shalt  }
0x48: {  	_ =	shalt  }
0x49: {  	_ =	shalt  }
0x4a: {  	_ =	shalt  }
0x4b: {  	_ =	shalt  }
0x4c: {  	_ =	shalt  }
0x4d: {  	_ =	shalt  }
0x4e: {  	_ =	shalt  }
0x4f: {  	_ =	shalt  }
0x50: {  	_ =	shalt  }
0x51: {  	_ =	shalt  }
0x52: {  	_ =	shalt  }
0x53: {  	_ =	shalt  }
0x54: {  	_ =	shalt  }
0x55: {  	_ =	shalt  }
0x56: {  	_ =	shalt  }
0x57: {  	_ =	shalt  }
0x58: {  	_ =	shalt  }
0x59: {  	_ =	shalt  }
0x5a: {  	_ =	shalt  }
0x5b: {  	_ =	shalt  }
0x5c: {  	_ =	shalt  }
0x5d: {  	_ =	shalt  }
0x5e: {  	_ =	shalt  }
0x5f: {  	_ =	shalt  }
0x60: {  	_ =	shalt  }
0x61: {  	_ =	shalt  }
0x62: {  	_ =	shalt  }
0x63: {  	_ =	shalt  }
0x64: {  	_ =	shalt  }
0x65: {  	_ =	shalt  }
0x66: {  	_ =	shalt  }
0x67: {  	_ =	shalt  }
0x68: {  	_ =	shalt  }
0x69: {  	_ =	shalt  }
0x6a: {  	_ =	shalt  }
0x6b: {  	_ =	shalt  }
0x6c: {  	_ =	shalt  }
0x6d: {  	_ =	shalt  }
0x6e: {  	_ =	shalt  }
0x6f: {  	_ =	shalt  }
0x70: {  	_ =	shalt  }
0x71: {  	_ =	shalt  }
0x72: {  	_ =	shalt  }
0x73: {  	_ =	shalt  }
0x74: {  	_ =	shalt  }
0x75: {  	_ =	shalt  }
0x76: {  	_ =	shalt  }
0x77: {  	_ =	shalt  }
0x78: {  	_ =	shalt  }
0x79: {  	_ =	shalt  }
0x7a: {  	_ =	shalt  }
0x7b: {  	_ =	shalt  }
0x7c: {  	_ =	shalt  }
0x7d: {  	_ =	shalt  }
0x7e: {  	_ =	shalt  }
0x7f: {  	_ =	shalt  }
0x80: {  	_ =	shalt  }
0x81: {  	_ =	shalt  }
0x82: {  	_ =	shalt  }
0x83: {  	_ =	shalt  }
0x84: {  	_ =	shalt  }
0x85: {  	_ =	shalt  }
0x86: {  	_ =	shalt  }
0x87: {  	_ =	shalt  }
.Lfunc_end0:
.L_simem_size_0:
called_computation_lowered:
.L_overlay_start_0:
0x88: {  	s2 =	sld [smem:$0x3FD9]  }
0x89: {  	s3 =	sld [smem:$0x3FFE];
	_ =	sdelay $0x1  }
0x8a: {  	s1 =	srdreg.scid  }
0x8b: {  	s0 =	sand.u32 $0x1, s1  }
0x8c: {  	s17 =	sshll.u32 s0, $0xA;
	s2 =	sadd.s32 s3, s2  }
0x8d: {  	s2 =	sadd.s32 s2, s17  }
0x8e: {  	[smem:$0x3FC4] =	sst s2  }
0x8f: {  	_ = 	snop  }
0x90: {  	s2 =	sld [smem:$0x3FC9]  }
0x91: {  	s18 =	sld [smem:$0x3FC8];
	(tm) =	ssettm $0x1  }
0x92: {  	s4 =	sld [smem:$0x3FFB];
	_ =	sdelay $0x3  }
0x93: {  	_ =	strace s4  }
0x94: {  	s4 =	sld [smem:$0x3FFC];
	_ =	sdelay $0x3  }
0x95: {  	_ =	strace s4  }
0x96: {  	s4 =	sld [smem:$0x3FFD];
	_ =	sdelay $0x3  }
0x97: {  	_ =	strace s4  }
0x98: {  	_ =	strace $0x8FFFFFFF  }
0x99: {  	s19 =	sld [smem:$0x3FDB];
	_ =	sdelay $0x1  }
0x9a: {  	s5 =	simm.s32 $_scs_section_size  }
0x9b: {  	s6 =	simm.s32 $_size__tile_overlayer_lowered;
	s7 =	simm.s32 $_tile_overlayer_lowered  }
0x9c: {  	s22 =	simm.s32 $0x1BFF;
	s21 =	sshll.u32 s7, $0x1;
	s4 =	sadd.s32 s5, s19  }
0x9d: {  	s8 =	simm.s32 $0x0;
	s20 =	sshll.u32 s6, $0x1;
	s6 =	sadd.s32 s21, s4  }
0x9e: {  	[timem:s8], [sflag:s22] =	dma.local [hbm:s6], s20  }
0x9f: {  	_ =	swait.ge [sflag:s22], s20  }
0xa0: {  	s5 =	ssub.s32 $0x0, s20;
	[sflag:s22] =	ssyncset.done $0x0  }
0xa1: {  	[sflag:s22] =	ssyncadd.s32 s5;
	_ =	sdelay $0x1  }
0xa2: {  	s23 =	simm.s32 $0x1B8B  }
0xa3: {  	_ =	swait.ge [sflag:s23], $0x1  }
0xa4: {  	[sflag:s23] =	ssyncset.done $0x0  }
0xa5: {  	s25 =	simm.s32 $0x1B8E;
	s24 =	sld [smem:$0x3FFE];
	[sflag:s23] =	ssyncadd.s32 $0xFFFFFFFF  }
0xa6: {  	s26 =	simm.s32 $execute0_lowered;
	[smem:$0x3FD2] =	sst s25  }
0xa7: {  	s6 =	sshll.u32 s26, $0x1;
	_ =	strace $0x80000046;
	[dreg:$0x1] =	wrdreg $0xFFFFFFFF  }
0xa8: {  	s28 =	simm.s32 $_size_execute0_lowered;
	s4 =	sadd.s32 s4, s6;
	[dreg:$0x0] =	wrdreg $0x0  }
0xa9: {  	s6 =	sshll.u32 s28, $0x1;
	[dreg:$0x2] =	wrdreg s4  }
0xaa: {  	[dreg:$0x3] =	wrdreg s6  }
0xab: {  	[dreg:$0x4] =	wrdreg $0xC0  }
0xac: {  	_ =	task [dreg:s8], $0x5FFFF  }
0xad: {  	[dreg:$0x1] =	wrdreg $0xFFFFFFFF  }
0xae: {  	[dreg:$0x0] =	wrdreg $0x60  }
0xaf: {  	[dreg:$0x2] =	wrdreg s2  }
0xb0: {  	[dreg:$0x3] =	wrdreg s18  }
0xb1: {  	[dreg:$0x4] =	wrdreg s24  }
0xb2: {  	[dreg:$0x5] =	wrdreg $0x9  }
0xb3: {  	_ =	task.clear_ibuf [dreg:s8], $0x6FFFF;
	_ =	strace $0x90000046  }
0xb4: {  	s29 =	simm.s32 $0x9;
	_ =	strace $0x80000048  }
0xb5: {  	_ =	swait.ge [sflag:s29], $0x1  }
0xb6: {  	[sflag:s29] =	ssyncadd.s32 $0xFFFFFFFF  }
0xb7: {  	_ =	strace $0x90000048  }
0xb8: {  	_ =	sfence  }
0xb9: {  	s30 =	sld [smem:$0x0];
	_ =	sdelay $0x2  }
0xba: {  	s31 =	sshll.u32 s1, $0xD;
	s1 =	sshrl.u32 s1, $0x2  }
0xbb: {  	s3 =	sand.u32 $0x4000, s31;
	s1 =	sadd.s32 s1, s30  }
0xbc: {  	s0 =	sor.u32 s3, s0;
	s1 =	sshll.u32 s1, $0x11  }
0xbd: {  	s0 =	sor.u32 s1, s0  }
0xbe: {  	s0 =	sadd.s32 $0x8F2B, s0  }
0xbf: {  	[sflag:s0] =	ssyncadd.remote.s32 $0x1  }
0xc0: {  	_ =	sfence.sel $0xFFFF  }
0xc1: {  	[dreg:$0x0] =	wrdreg $0xFFFFFFFF;
	(pc) =	sbr.abs _section_cstart, $3  }
0xc2: {  	[dreg:$0x1] =	wrdreg $0xFFFFFFFF  }
0xc3: {  	_ =	task.clear_ibuf [dreg:s8], $0x2FFFF;
	_ =	strace $0x9FFFFFFF  }
0xc4: {  	(tm) =	ssettm $0x7FFFFFFF  }
0xc5: {  	_ =	shalt  }
tec
execute0_lowered:
.L_overlay_start_1:
0x0: {  	(tag) =	ssettag $0x1  }
0x1: {  	s0 =	rddreg [dreg:$0x0]  }
0x2: {  	s1 =	rddreg [dreg:$0x1]  }
0x3: {  	s5 =	rddreg [dreg:$0x2];
	s2 =	simm.s32 $0x0;
	s4 =	srdreg.scid  }
0x4: {  	s7 =	stileid.u32;
	s31 =	simm.s32 $0x5;
	s29 =	simm.s32 $0x200  }
0x5: {  	s30 =	simm.s32 $0x280;
	p0 =	por $0x0, $0x0;
	[smem:$0x7FF] =	sst s2  }
0x6: {  	s3 =	sadd.s32 $0xE00, s5;
	s6 =	sand.u32 $0x1, s4;
	s4 =	sadd.s32 $0x10C9C00, s5  }
0x7: {  	s7 =	sshll.u32 s7, $0xA;
	s10 =	sadd.s32 $0x187800, s5;
	s8 =	sshll.u32 s6, $0x9  }
0x8: {  	s11 =	sadd.s32 $0x1C7800, s5;
	s6 =	ssub.s32 $0x2, s6;
	s7 =	sor.u32 s8, s7  }
0x9: {  	_ =	strace $0x80000047;
	s18 =	sshrl.u32 s6, $0x1;
	s8 =	sshrl.u32 s7, $0x3  }
0xa: {  	s12 =	ssub.s32 s6, s18;
	s20 =	sor.u32 $0x80, s7;
	s9 =	sor.u32 $0x100, s7  }
0xb: {  	s13 =	sor.u32 $0x180, s7;
	s15 =	sshll.u32 s7, $0x4;
	s7 =	simm.s32 $0x4  }
0xc: {  	s19 =	sadd.s32 s0, s8;
	s21 =	sadd.s32 s1, s8;
	s22 =	sshrl.u32 s20, $0x3  }
0xd: {  	s25 =	sshrl.u32 s9, $0x3;
	s14 =	sshrl.u32 s13, $0x3;
	s18 =	sadd.s32 s10, s15  }
0xe: {  	s16 =	sshll.u32 s20, $0x4;
	s17 =	sshll.u32 s9, $0x4;
	[dreg:$0x4] =	wrdreg s19  }
0xf: {  	s20 =	sshll.u32 s13, $0x4;
	s13 =	simm.s32 $0x2;
	[dreg:$0x5] =	wrdreg s21  }
0x10: {  	s23 =	sadd.s32 s0, s22;
	s24 =	sadd.s32 s1, s22;
	s26 =	sadd.s32 s0, s25  }
0x11: {  	s8 =	sadd.s32 s1, s25;
	s28 =	sadd.s32 s0, s14;
	s19 =	sadd.s32 s11, s15  }
0x12: {  	s15 =	sadd.s32 s11, s16;
	s9 =	sadd.s32 s11, s17;
	s5 =	sadd.s32 s10, s20  }
0x13: {  	s6 =	sadd.s32 s11, s20;
	s21 =	smax.u32 s12, $0x1;
	s20 =	simm.s32 $0x80  }
0x14: {  	s25 =	simm.s32 $0x100;
	s22 =	simm.s32 $0x180;
	[dreg:$0x6] =	wrdreg s23  }
0x15: {  	s11 =	simm.s32 $0x4400;
	[dreg:$0x7] =	wrdreg s24;
	p1 =	sne.s32 s21, $0x1  }
.Ltmp0:
0x16: {  	s12 =	simm.s32 $0xC400;
	[dreg:$0x8] =	wrdreg s26;
	(pc) =	sbr.rel @!p1 .LBB2_3-.Ltmp0, $4  }
0x17: {  	[dreg:$0x9] =	wrdreg s8;
	s24 =	sadd.s32 s1, s14;
	s14 =	sadd.s32 s10, s16  }
0x18: {  	s8 =	sadd.s32 s10, s17;
	s26 =	simm.s32 $0x300;
	s23 =	simm.s32 $0x380  }
0x19: {  	s16 =	simm.s32 $0x400;
	s17 =	simm.s32 $0x8400;
	s0 =	sadd.s32 $0xFFFFFFFF, s21  }
0x1a: {  	s21 =	simm.s32 $0x1;
	s10 =	simm.s32 $0x3;
	s1 =	rddreg [dreg:$0x4]  }
0x1b: {  	[tilespmem:s2], [sflag:$0x5] =	stream.linear.gather [hbm4b:s1+s2], $0x80, $0x38;
	[tilespmem:$0x10400] =	vst v63  }
0x1c: {  	_ =	swait.ge [sflag:s31], $0x80  }
0x1d: {  	[sflag:s31] =	ssyncset.done $0x0  }
0x1e: {  	s1 =	rddreg [dreg:$0x5];
	[sflag:s31] =	ssyncadd.s32 $0xFFFFFF80  }
0x1f: {  	[tilespmem:s29], [sflag:$0x5] =	stream.linear.gather [hbm4b:s1+s2], $0x80, $0x38;
	[tilespmem:$0x10400] =	vst v63  }
0x20: {  	_ =	swait.ge [sflag:s31], $0x80  }
0x21: {  	[sflag:s31] =	ssyncset.done $0x0  }
0x22: {  	s1 =	rddreg [dreg:$0x6];
	[sflag:s31] =	ssyncadd.s32 $0xFFFFFF80  }
0x23: {  	[tilespmem:s20], [sflag:$0x5] =	stream.linear.gather [hbm4b:s1+s2], $0x80, $0x38;
	[tilespmem:$0x10400] =	vst v63  }
0x24: {  	_ =	swait.ge [sflag:s31], $0x80  }
0x25: {  	[sflag:s31] =	ssyncset.done $0x0  }
0x26: {  	s1 =	rddreg [dreg:$0x7];
	[sflag:s31] =	ssyncadd.s32 $0xFFFFFF80  }
0x27: {  	[tilespmem:s30], [sflag:$0x5] =	stream.linear.gather [hbm4b:s1+s2], $0x80, $0x38;
	[tilespmem:$0x10400] =	vst v63  }
0x28: {  	_ =	swait.ge [sflag:s31], $0x80  }
0x29: {  	[sflag:s31] =	ssyncset.done $0x0  }
0x2a: {  	s1 =	rddreg [dreg:$0x8];
	[sflag:s31] =	ssyncadd.s32 $0xFFFFFF80  }
0x2b: {  	[tilespmem:s25], [sflag:$0x5] =	stream.linear.gather [hbm4b:s1+s2], $0x80, $0x38;
	[tilespmem:$0x10400] =	vst v63  }
0x2c: {  	_ =	swait.ge [sflag:s31], $0x80  }
0x2d: {  	[sflag:s31] =	ssyncset.done $0x0  }
0x2e: {  	s1 =	rddreg [dreg:$0x9];
	[sflag:s31] =	ssyncadd.s32 $0xFFFFFF80  }
0x2f: {  	[tilespmem:s26], [sflag:$0x5] =	stream.linear.gather [hbm4b:s1+s2], $0x80, $0x38;
	[tilespmem:$0x10400] =	vst v63  }
0x30: {  	_ =	swait.ge [sflag:s31], $0x80  }
0x31: {  	[sflag:s31] =	ssyncset.done $0x0  }
0x32: {  	[sflag:s31] =	ssyncadd.s32 $0xFFFFFF80  }
0x33: {  	[tilespmem:s22], [sflag:$0x5] =	stream.linear.gather [hbm4b:s28+s2], $0x80, $0x38;
	[tilespmem:$0x10400] =	vst v63  }
0x34: {  	_ =	swait.ge [sflag:s31], $0x80  }
0x35: {  	[sflag:s31] =	ssyncset.done $0x0  }
0x36: {  	[sflag:s31] =	ssyncadd.s32 $0xFFFFFF80  }
0x37: {  	[tilespmem:s23], [sflag:$0x5] =	stream.linear.gather [hbm4b:s24+s2], $0x80, $0x38;
	[tilespmem:$0x10400] =	vst v63  }
0x38: {  	_ =	swait.ge [sflag:s31], $0x80  }
0x39: {  	[sflag:s31] =	ssyncset.done $0x0  }
0x3a: {  	[sflag:s31] =	ssyncadd.s32 $0xFFFFFF80  }
0x3b: {  	[tilespmem:s16], [sflag:$0x1] =	stream.indirect.gather [hbm4b:s3+s20], $0x80, s2, s20, $0xb8;
	[tilespmem:$0x10400] =	vst v63  }
0x3c: {  	_ = 	snop  }
0x3d: {  	[tilespmem:s17], [sflag:$0x1] =	stream.indirect.gather [hbm4b:s4+s20], $0x80, s29, s20, $0xb8;
	[tilespmem:$0x10400] =	vst v63  }
0x3e: {  	_ = 	snop  }
0x3f: {  	[tilespmem:s11], [sflag:$0x2] =	stream.indirect.gather [hbm4b:s3+s20], $0x80, s20, s20, $0xb8;
	[tilespmem:$0x10400] =	vst v63  }
0x40: {  	_ = 	snop  }
0x41: {  	[tilespmem:s12], [sflag:$0x2] =	stream.indirect.gather [hbm4b:s4+s20], $0x80, s30, s20, $0xb8;
	[tilespmem:$0x10400] =	vst v63  }
0x42: {  	_ =	swait.ge [sflag:s21], $0x4000  }
0x43: {  	[sflag:s21] =	ssyncset.done $0x0  }
0x44: {  	[sflag:s21] =	ssyncadd.s32 $0xFFFFC000  }
0x45: {  	_ =	swait.ge [sflag:s21], $0x4000  }
0x46: {  	[sflag:s21] =	ssyncset.done $0x0  }
0x47: {  	[sflag:s21] =	ssyncadd.s32 $0xFFFFC000  }
0x48: {  	[hbm4b:s18+s2] =	stream.linear.scatter [tilespmem:s16], [sflag:$0x3], $0x4000, $0x38;
	[tilespmem:$0x10400] =	vst v63  }
0x49: {  	_ = 	snop  }
0x4a: {  	[hbm4b:s19+s2] =	stream.linear.scatter [tilespmem:s17], [sflag:$0x3], $0x4000, $0x38;
	[tilespmem:$0x10400] =	vst v63  }
0x4b: {  	_ = 	snop  }
0x4c: {  	[tilespmem:s16], [sflag:$0x1] =	stream.indirect.gather [hbm4b:s3+s20], $0x80, s25, s20, $0xb8;
	[tilespmem:$0x10400] =	vst v63  }
0x4d: {  	_ = 	snop  }
0x4e: {  	[tilespmem:s17], [sflag:$0x1] =	stream.indirect.gather [hbm4b:s4+s20], $0x80, s26, s20, $0xb8;
	[tilespmem:$0x10400] =	vst v63  }
0x4f: {  	_ =	swait.ge [sflag:s13], $0x4000  }
0x50: {  	[sflag:s13] =	ssyncset.done $0x0  }
0x51: {  	[sflag:s13] =	ssyncadd.s32 $0xFFFFC000  }
0x52: {  	_ =	swait.ge [sflag:s13], $0x4000  }
0x53: {  	[sflag:s13] =	ssyncset.done $0x0  }
0x54: {  	[sflag:s13] =	ssyncadd.s32 $0xFFFFC000  }
0x55: {  	[hbm4b:s14+s2] =	stream.linear.scatter [tilespmem:s11], [sflag:$0x4], $0x4000, $0x38;
	[tilespmem:$0x10400] =	vst v63  }
0x56: {  	_ = 	snop  }
0x57: {  	[hbm4b:s15+s2] =	stream.linear.scatter [tilespmem:s12], [sflag:$0x4], $0x4000, $0x38;
	[tilespmem:$0x10400] =	vst v63  }
0x58: {  	_ = 	snop  }
0x59: {  	[tilespmem:s11], [sflag:$0x2] =	stream.indirect.gather [hbm4b:s3+s20], $0x80, s22, s20, $0xb8;
	[tilespmem:$0x10400] =	vst v63  }
0x5a: {  	_ = 	snop  }
0x5b: {  	[tilespmem:s12], [sflag:$0x2] =	stream.indirect.gather [hbm4b:s4+s20], $0x80, s23, s20, $0xb8;
	[tilespmem:$0x10400] =	vst v63  }
0x5c: {  	_ =	swait.ge [sflag:s10], $0x4000  }
0x5d: {  	[sflag:s10] =	ssyncset.done $0x0  }
0x5e: {  	[sflag:s10] =	ssyncadd.s32 $0xFFFFC000  }
0x5f: {  	_ =	swait.ge [sflag:s10], $0x4000  }
0x60: {  	[sflag:s10] =	ssyncset.done $0x0  }
0x61: {  	[sflag:s10] =	ssyncadd.s32 $0xFFFFC000  }
0x62: {  	_ =	swait.ge [sflag:s21], $0x4000  }
0x63: {  	[sflag:s21] =	ssyncset.done $0x0  }
0x64: {  	[sflag:s21] =	ssyncadd.s32 $0xFFFFC000  }
0x65: {  	_ =	swait.ge [sflag:s21], $0x4000  }
0x66: {  	[sflag:s21] =	ssyncset.done $0x0  }
0x67: {  	[sflag:s21] =	ssyncadd.s32 $0xFFFFC000  }
0x68: {  	[hbm4b:s8+s2] =	stream.linear.scatter [tilespmem:s16], [sflag:$0x3], $0x4000, $0x38;
	[tilespmem:$0x10400] =	vst v63  }
0x69: {  	_ = 	snop  }
0x6a: {  	[hbm4b:s9+s2] =	stream.linear.scatter [tilespmem:s17], [sflag:$0x3], $0x4000, $0x38;
	[tilespmem:$0x10400] =	vst v63  }
0x6b: {  	_ =	swait.ge [sflag:s7], $0x4000  }
0x6c: {  	[sflag:s7] =	ssyncset.done $0x0  }
0x6d: {  	[sflag:s7] =	ssyncadd.s32 $0xFFFFC000  }
0x6e: {  	_ =	swait.ge [sflag:s7], $0x4000  }
0x6f: {  	[sflag:s7] =	ssyncset.done $0x0  }
0x70: {  	[sflag:s7] =	ssyncadd.s32 $0xFFFFC000  }
0x71: {  	_ =	swait.ge [sflag:s13], $0x4000  }
0x72: {  	[sflag:s13] =	ssyncset.done $0x0  }
0x73: {  	[sflag:s13] =	ssyncadd.s32 $0xFFFFC000  }
0x74: {  	_ =	swait.ge [sflag:s13], $0x4000  }
0x75: {  	[sflag:s13] =	ssyncset.done $0x0  }
0x76: {  	[sflag:s13] =	ssyncadd.s32 $0xFFFFC000  }
0x77: {  	[hbm4b:s5+s2] =	stream.linear.scatter [tilespmem:s11], [sflag:$0x4], $0x4000, $0x38;
	[tilespmem:$0x10400] =	vst v63  }
0x78: {  	_ = 	snop  }
0x79: {  	[hbm4b:s6+s2] =	stream.linear.scatter [tilespmem:s12], [sflag:$0x4], $0x4000, $0x38;
	[tilespmem:$0x10400] =	vst v63  }
0x7a: {  	_ =	swait.ge [sflag:s10], $0x4000  }
0x7b: {  	[sflag:s10] =	ssyncset.done $0x0  }
0x7c: {  	[sflag:s10] =	ssyncadd.s32 $0xFFFFC000  }
0x7d: {  	_ =	swait.ge [sflag:s10], $0x4000  }
0x7e: {  	[sflag:s10] =	ssyncset.done $0x0  }
0x7f: {  	p1 =	sne.s32 s0, $0x1;
	[sflag:s10] =	ssyncadd.s32 $0xFFFFC000  }
.Ltmp1:
0x80: {  	_ =	swait.ge [sflag:s7], $0x4000;
	(pc) =	sbr.rel @!p1 .LBB2_3-.Ltmp1, $4  }
0x81: {  	[sflag:s7] =	ssyncset.done $0x0  }
0x82: {  	[sflag:s7] =	ssyncadd.s32 $0xFFFFC000  }
0x83: {  	s0 =	sadd.s32 $0xFFFFFFFF, s0;
	_ =	swait.ge [sflag:s7], $0x4000  }
0x84: {  	p0 =	por $0x1, $0x1;
	s1 =	rddreg [dreg:$0x4];
	[sflag:s7] =	ssyncset.done $0x0  }
.LBB2_2:
0x85: {  	[sflag:s7] =	ssyncadd.s32 $0xFFFFC000  }
0x86: {  	[tilespmem:s2], [sflag:$0x5] =	stream.linear.gather [hbm4b:s1+s2], $0x80, $0x38;
	[tilespmem:$0x10400] =	vst v63  }
0x87: {  	_ =	swait.ge [sflag:s31], $0x80  }
0x88: {  	[sflag:s31] =	ssyncset.done $0x0  }
0x89: {  	s1 =	rddreg [dreg:$0x5];
	[sflag:s31] =	ssyncadd.s32 $0xFFFFFF80  }
0x8a: {  	[tilespmem:s29], [sflag:$0x5] =	stream.linear.gather [hbm4b:s1+s2], $0x80, $0x38;
	[tilespmem:$0x10400] =	vst v63  }
0x8b: {  	_ =	swait.ge [sflag:s31], $0x80  }
0x8c: {  	[sflag:s31] =	ssyncset.done $0x0  }
0x8d: {  	s1 =	rddreg [dreg:$0x6];
	[sflag:s31] =	ssyncadd.s32 $0xFFFFFF80  }
0x8e: {  	[tilespmem:s20], [sflag:$0x5] =	stream.linear.gather [hbm4b:s1+s2], $0x80, $0x38;
	[tilespmem:$0x10400] =	vst v63  }
0x8f: {  	_ =	swait.ge [sflag:s31], $0x80  }
0x90: {  	[sflag:s31] =	ssyncset.done $0x0  }
0x91: {  	s1 =	rddreg [dreg:$0x7];
	[sflag:s31] =	ssyncadd.s32 $0xFFFFFF80  }
0x92: {  	[tilespmem:s30], [sflag:$0x5] =	stream.linear.gather [hbm4b:s1+s2], $0x80, $0x38;
	[tilespmem:$0x10400] =	vst v63  }
0x93: {  	_ =	swait.ge [sflag:s31], $0x80  }
0x94: {  	[sflag:s31] =	ssyncset.done $0x0  }
0x95: {  	s1 =	rddreg [dreg:$0x8];
	[sflag:s31] =	ssyncadd.s32 $0xFFFFFF80  }
0x96: {  	[tilespmem:s25], [sflag:$0x5] =	stream.linear.gather [hbm4b:s1+s2], $0x80, $0x38;
	[tilespmem:$0x10400] =	vst v63  }
0x97: {  	_ =	swait.ge [sflag:s31], $0x80  }
0x98: {  	[sflag:s31] =	ssyncset.done $0x0  }
0x99: {  	s1 =	rddreg [dreg:$0x9];
	[sflag:s31] =	ssyncadd.s32 $0xFFFFFF80  }
0x9a: {  	[tilespmem:s26], [sflag:$0x5] =	stream.linear.gather [hbm4b:s1+s2], $0x80, $0x38;
	[tilespmem:$0x10400] =	vst v63  }
0x9b: {  	_ =	swait.ge [sflag:s31], $0x80  }
0x9c: {  	[sflag:s31] =	ssyncset.done $0x0  }
0x9d: {  	[sflag:s31] =	ssyncadd.s32 $0xFFFFFF80  }
0x9e: {  	[tilespmem:s22], [sflag:$0x5] =	stream.linear.gather [hbm4b:s28+s2], $0x80, $0x38;
	[tilespmem:$0x10400] =	vst v63  }
0x9f: {  	_ =	swait.ge [sflag:s31], $0x80  }
0xa0: {  	[sflag:s31] =	ssyncset.done $0x0  }
0xa1: {  	[sflag:s31] =	ssyncadd.s32 $0xFFFFFF80  }
0xa2: {  	[tilespmem:s23], [sflag:$0x5] =	stream.linear.gather [hbm4b:s24+s2], $0x80, $0x38;
	[tilespmem:$0x10400] =	vst v63  }
0xa3: {  	_ =	swait.ge [sflag:s31], $0x80  }
0xa4: {  	[sflag:s31] =	ssyncset.done $0x0  }
0xa5: {  	[sflag:s31] =	ssyncadd.s32 $0xFFFFFF80  }
0xa6: {  	[tilespmem:s16], [sflag:$0x1] =	stream.indirect.gather [hbm4b:s3+s20], $0x80, s2, s20, $0xb8;
	[tilespmem:$0x10400] =	vst v63  }
0xa7: {  	_ = 	snop  }
0xa8: {  	[tilespmem:s17], [sflag:$0x1] =	stream.indirect.gather [hbm4b:s4+s20], $0x80, s29, s20, $0xb8;
	[tilespmem:$0x10400] =	vst v63  }
0xa9: {  	_ = 	snop  }
0xaa: {  	[tilespmem:s11], [sflag:$0x2] =	stream.indirect.gather [hbm4b:s3+s20], $0x80, s20, s20, $0xb8;
	[tilespmem:$0x10400] =	vst v63  }
0xab: {  	_ = 	snop  }
0xac: {  	[tilespmem:s12], [sflag:$0x2] =	stream.indirect.gather [hbm4b:s4+s20], $0x80, s30, s20, $0xb8;
	[tilespmem:$0x10400] =	vst v63  }
0xad: {  	_ =	swait.ge [sflag:s21], $0x4000  }
0xae: {  	[sflag:s21] =	ssyncset.done $0x0  }
0xaf: {  	[sflag:s21] =	ssyncadd.s32 $0xFFFFC000  }
0xb0: {  	_ =	swait.ge [sflag:s21], $0x4000  }
0xb1: {  	[sflag:s21] =	ssyncset.done $0x0  }
0xb2: {  	[sflag:s21] =	ssyncadd.s32 $0xFFFFC000  }
0xb3: {  	[hbm4b:s18+s2] =	stream.linear.scatter [tilespmem:s16], [sflag:$0x3], $0x4000, $0x38;
	[tilespmem:$0x10400] =	vst v63  }
0xb4: {  	_ = 	snop  }
0xb5: {  	[hbm4b:s19+s2] =	stream.linear.scatter [tilespmem:s17], [sflag:$0x3], $0x4000, $0x38;
	[tilespmem:$0x10400] =	vst v63  }
0xb6: {  	_ = 	snop  }
0xb7: {  	[tilespmem:s16], [sflag:$0x1] =	stream.indirect.gather [hbm4b:s3+s20], $0x80, s25, s20, $0xb8;
	[tilespmem:$0x10400] =	vst v63  }
0xb8: {  	_ = 	snop  }
0xb9: {  	[tilespmem:s17], [sflag:$0x1] =	stream.indirect.gather [hbm4b:s4+s20], $0x80, s26, s20, $0xb8;
	[tilespmem:$0x10400] =	vst v63  }
0xba: {  	_ =	swait.ge [sflag:s13], $0x4000  }
0xbb: {  	[sflag:s13] =	ssyncset.done $0x0  }
0xbc: {  	[sflag:s13] =	ssyncadd.s32 $0xFFFFC000  }
0xbd: {  	_ =	swait.ge [sflag:s13], $0x4000  }
0xbe: {  	[sflag:s13] =	ssyncset.done $0x0  }
0xbf: {  	[sflag:s13] =	ssyncadd.s32 $0xFFFFC000  }
0xc0: {  	[hbm4b:s14+s2] =	stream.linear.scatter [tilespmem:s11], [sflag:$0x4], $0x4000, $0x38;
	[tilespmem:$0x10400] =	vst v63  }
0xc1: {  	_ = 	snop  }
0xc2: {  	[hbm4b:s15+s2] =	stream.linear.scatter [tilespmem:s12], [sflag:$0x4], $0x4000, $0x38;
	[tilespmem:$0x10400] =	vst v63  }
0xc3: {  	_ = 	snop  }
0xc4: {  	[tilespmem:s11], [sflag:$0x2] =	stream.indirect.gather [hbm4b:s3+s20], $0x80, s22, s20, $0xb8;
	[tilespmem:$0x10400] =	vst v63  }
0xc5: {  	_ = 	snop  }
0xc6: {  	[tilespmem:s12], [sflag:$0x2] =	stream.indirect.gather [hbm4b:s4+s20], $0x80, s23, s20, $0xb8;
	[tilespmem:$0x10400] =	vst v63  }
0xc7: {  	_ =	swait.ge [sflag:s10], $0x4000  }
0xc8: {  	[sflag:s10] =	ssyncset.done $0x0  }
0xc9: {  	[sflag:s10] =	ssyncadd.s32 $0xFFFFC000  }
0xca: {  	_ =	swait.ge [sflag:s10], $0x4000  }
0xcb: {  	[sflag:s10] =	ssyncset.done $0x0  }
0xcc: {  	[sflag:s10] =	ssyncadd.s32 $0xFFFFC000  }
0xcd: {  	_ =	swait.ge [sflag:s21], $0x4000  }
0xce: {  	[sflag:s21] =	ssyncset.done $0x0  }
0xcf: {  	[sflag:s21] =	ssyncadd.s32 $0xFFFFC000  }
0xd0: {  	_ =	swait.ge [sflag:s21], $0x4000  }
0xd1: {  	[sflag:s21] =	ssyncset.done $0x0  }
0xd2: {  	[sflag:s21] =	ssyncadd.s32 $0xFFFFC000  }
0xd3: {  	[hbm4b:s8+s2] =	stream.linear.scatter [tilespmem:s16], [sflag:$0x3], $0x4000, $0x38;
	[tilespmem:$0x10400] =	vst v63  }
0xd4: {  	_ = 	snop  }
0xd5: {  	[hbm4b:s9+s2] =	stream.linear.scatter [tilespmem:s17], [sflag:$0x3], $0x4000, $0x38;
	[tilespmem:$0x10400] =	vst v63  }
0xd6: {  	_ =	swait.ge [sflag:s7], $0x4000  }
0xd7: {  	[sflag:s7] =	ssyncset.done $0x0  }
0xd8: {  	[sflag:s7] =	ssyncadd.s32 $0xFFFFC000  }
0xd9: {  	_ =	swait.ge [sflag:s7], $0x4000  }
0xda: {  	[sflag:s7] =	ssyncset.done $0x0  }
0xdb: {  	[sflag:s7] =	ssyncadd.s32 $0xFFFFC000  }
0xdc: {  	_ =	swait.ge [sflag:s13], $0x4000  }
0xdd: {  	[sflag:s13] =	ssyncset.done $0x0  }
0xde: {  	[sflag:s13] =	ssyncadd.s32 $0xFFFFC000  }
0xdf: {  	_ =	swait.ge [sflag:s13], $0x4000  }
0xe0: {  	[sflag:s13] =	ssyncset.done $0x0  }
0xe1: {  	[sflag:s13] =	ssyncadd.s32 $0xFFFFC000  }
0xe2: {  	[hbm4b:s5+s2] =	stream.linear.scatter [tilespmem:s11], [sflag:$0x4], $0x4000, $0x38;
	[tilespmem:$0x10400] =	vst v63  }
0xe3: {  	_ = 	snop  }
0xe4: {  	[hbm4b:s6+s2] =	stream.linear.scatter [tilespmem:s12], [sflag:$0x4], $0x4000, $0x38;
	[tilespmem:$0x10400] =	vst v63  }
0xe5: {  	_ =	swait.ge [sflag:s10], $0x4000  }
0xe6: {  	[sflag:s10] =	ssyncset.done $0x0  }
0xe7: {  	[sflag:s10] =	ssyncadd.s32 $0xFFFFC000  }
0xe8: {  	_ =	swait.ge [sflag:s10], $0x4000  }
0xe9: {  	[sflag:s10] =	ssyncset.done $0x0  }
0xea: {  	p1 =	sne.s32 s0, $0x1;
	[sflag:s10] =	ssyncadd.s32 $0xFFFFC000  }
.Ltmp2:
0xeb: {  	_ =	swait.ge [sflag:s7], $0x4000;
	(pc) =	sbr.rel @p1 .LBB2_2-.Ltmp2, $4  }
0xec: {  	[sflag:s7] =	ssyncset.done $0x0  }
0xed: {  	[sflag:s7] =	ssyncadd.s32 $0xFFFFC000  }
0xee: {  	_ =	swait.ge [sflag:s7], $0x4000  }
0xef: {  	s0 =	sadd.s32 $0xFFFFFFFF, s0;
	s1 =	rddreg [dreg:$0x4];
	[sflag:s7] =	ssyncset.done $0x0  }
.LBB2_3:
0xf0: {  	[sflag:s7] =	ssyncadd.s32 @p0 $0xFFFFC000  }
0xf1: {  	[tilespmem:s2], [sflag:$0x5] =	stream.linear.gather [hbm4b:s1+s2], $0x80, $0x38;
	[tilespmem:$0x10400] =	vst v63  }
0xf2: {  	_ =	swait.ge [sflag:s31], $0x80  }
0xf3: {  	[sflag:s31] =	ssyncset.done $0x0  }
0xf4: {  	s0 =	rddreg [dreg:$0x5];
	[sflag:s31] =	ssyncadd.s32 $0xFFFFFF80  }
0xf5: {  	[tilespmem:s29], [sflag:$0x5] =	stream.linear.gather [hbm4b:s0+s2], $0x80, $0x38;
	[tilespmem:$0x10400] =	vst v63  }
0xf6: {  	_ =	swait.ge [sflag:s31], $0x80  }
0xf7: {  	[sflag:s31] =	ssyncset.done $0x0  }
0xf8: {  	s1 =	rddreg [dreg:$0x6];
	[sflag:s31] =	ssyncadd.s32 $0xFFFFFF80  }
0xf9: {  	[tilespmem:s20], [sflag:$0x5] =	stream.linear.gather [hbm4b:s1+s2], $0x80, $0x38;
	[tilespmem:$0x10400] =	vst v63  }
0xfa: {  	_ =	swait.ge [sflag:s31], $0x80  }
0xfb: {  	[sflag:s31] =	ssyncset.done $0x0  }
0xfc: {  	s1 =	rddreg [dreg:$0x7];
	[sflag:s31] =	ssyncadd.s32 $0xFFFFFF80  }
0xfd: {  	[tilespmem:s30], [sflag:$0x5] =	stream.linear.gather [hbm4b:s1+s2], $0x80, $0x38;
	[tilespmem:$0x10400] =	vst v63  }
0xfe: {  	_ =	swait.ge [sflag:s31], $0x80  }
0xff: {  	[sflag:s31] =	ssyncset.done $0x0  }
0x100: {  	s1 =	rddreg [dreg:$0x8];
	[sflag:s31] =	ssyncadd.s32 $0xFFFFFF80  }
0x101: {  	[tilespmem:s25], [sflag:$0x5] =	stream.linear.gather [hbm4b:s1+s2], $0x80, $0x38;
	[tilespmem:$0x10400] =	vst v63  }
0x102: {  	_ =	swait.ge [sflag:s31], $0x80  }
0x103: {  	[sflag:s31] =	ssyncset.done $0x0  }
0x104: {  	s1 =	rddreg [dreg:$0x9];
	[sflag:s31] =	ssyncadd.s32 $0xFFFFFF80  }
0x105: {  	[tilespmem:s26], [sflag:$0x5] =	stream.linear.gather [hbm4b:s1+s2], $0x80, $0x38;
	[tilespmem:$0x10400] =	vst v63  }
0x106: {  	_ =	swait.ge [sflag:s31], $0x80  }
0x107: {  	[sflag:s31] =	ssyncset.done $0x0  }
0x108: {  	[sflag:s31] =	ssyncadd.s32 $0xFFFFFF80  }
0x109: {  	[tilespmem:s22], [sflag:$0x5] =	stream.linear.gather [hbm4b:s28+s2], $0x80, $0x38;
	[tilespmem:$0x10400] =	vst v63  }
0x10a: {  	_ =	swait.ge [sflag:s31], $0x80  }
0x10b: {  	[sflag:s31] =	ssyncset.done $0x0  }
0x10c: {  	[sflag:s31] =	ssyncadd.s32 $0xFFFFFF80  }
0x10d: {  	[tilespmem:s23], [sflag:$0x5] =	stream.linear.gather [hbm4b:s24+s2], $0x80, $0x38;
	[tilespmem:$0x10400] =	vst v63  }
0x10e: {  	_ =	swait.ge [sflag:s31], $0x80  }
0x10f: {  	[sflag:s31] =	ssyncset.done $0x0  }
0x110: {  	[sflag:s31] =	ssyncadd.s32 $0xFFFFFF80  }
0x111: {  	[tilespmem:s16], [sflag:$0x1] =	stream.indirect.gather [hbm4b:s3+s20], $0x80, s2, s20, $0xb8;
	[tilespmem:$0x10400] =	vst v63  }
0x112: {  	_ = 	snop  }
0x113: {  	[tilespmem:s17], [sflag:$0x1] =	stream.indirect.gather [hbm4b:s4+s20], $0x80, s29, s20, $0xb8;
	[tilespmem:$0x10400] =	vst v63  }
0x114: {  	_ = 	snop  }
0x115: {  	[tilespmem:s11], [sflag:$0x2] =	stream.indirect.gather [hbm4b:s3+s20], $0x80, s20, s20, $0xb8;
	[tilespmem:$0x10400] =	vst v63  }
0x116: {  	_ = 	snop  }
0x117: {  	[tilespmem:s12], [sflag:$0x2] =	stream.indirect.gather [hbm4b:s4+s20], $0x80, s30, s20, $0xb8;
	[tilespmem:$0x10400] =	vst v63  }
0x118: {  	_ =	swait.ge [sflag:s21], $0x4000  }
0x119: {  	[sflag:s21] =	ssyncset.done $0x0  }
0x11a: {  	[sflag:s21] =	ssyncadd.s32 $0xFFFFC000  }
0x11b: {  	_ =	swait.ge [sflag:s21], $0x4000  }
0x11c: {  	[sflag:s21] =	ssyncset.done $0x0  }
0x11d: {  	[sflag:s21] =	ssyncadd.s32 $0xFFFFC000  }
0x11e: {  	[hbm4b:s18+s2] =	stream.linear.scatter [tilespmem:s16], [sflag:$0x3], $0x4000, $0x38;
	[tilespmem:$0x10400] =	vst v63  }
0x11f: {  	_ = 	snop  }
0x120: {  	[hbm4b:s19+s2] =	stream.linear.scatter [tilespmem:s17], [sflag:$0x3], $0x4000, $0x38;
	[tilespmem:$0x10400] =	vst v63  }
0x121: {  	_ = 	snop  }
0x122: {  	[tilespmem:s16], [sflag:$0x1] =	stream.indirect.gather [hbm4b:s3+s20], $0x80, s25, s20, $0xb8;
	[tilespmem:$0x10400] =	vst v63  }
0x123: {  	_ = 	snop  }
0x124: {  	[tilespmem:s17], [sflag:$0x1] =	stream.indirect.gather [hbm4b:s4+s20], $0x80, s26, s20, $0xb8;
	[tilespmem:$0x10400] =	vst v63  }
0x125: {  	_ =	swait.ge [sflag:s13], $0x4000  }
0x126: {  	[sflag:s13] =	ssyncset.done $0x0  }
0x127: {  	[sflag:s13] =	ssyncadd.s32 $0xFFFFC000  }
0x128: {  	_ =	swait.ge [sflag:s13], $0x4000  }
0x129: {  	[sflag:s13] =	ssyncset.done $0x0  }
0x12a: {  	[sflag:s13] =	ssyncadd.s32 $0xFFFFC000  }
0x12b: {  	[hbm4b:s14+s2] =	stream.linear.scatter [tilespmem:s11], [sflag:$0x4], $0x4000, $0x38;
	[tilespmem:$0x10400] =	vst v63  }
0x12c: {  	_ = 	snop  }
0x12d: {  	[hbm4b:s15+s2] =	stream.linear.scatter [tilespmem:s12], [sflag:$0x4], $0x4000, $0x38;
	[tilespmem:$0x10400] =	vst v63  }
0x12e: {  	_ = 	snop  }
0x12f: {  	[tilespmem:s11], [sflag:$0x2] =	stream.indirect.gather [hbm4b:s3+s20], $0x80, s22, s20, $0xb8;
	[tilespmem:$0x10400] =	vst v63  }
0x130: {  	_ = 	snop  }
0x131: {  	[tilespmem:s12], [sflag:$0x2] =	stream.indirect.gather [hbm4b:s4+s20], $0x80, s23, s20, $0xb8;
	[tilespmem:$0x10400] =	vst v63  }
0x132: {  	_ =	swait.ge [sflag:s10], $0x4000  }
0x133: {  	[sflag:s10] =	ssyncset.done $0x0  }
0x134: {  	[sflag:s10] =	ssyncadd.s32 $0xFFFFC000  }
0x135: {  	_ =	swait.ge [sflag:s10], $0x4000  }
0x136: {  	[sflag:s10] =	ssyncset.done $0x0  }
0x137: {  	[sflag:s10] =	ssyncadd.s32 $0xFFFFC000  }
0x138: {  	_ =	swait.ge [sflag:s21], $0x4000  }
0x139: {  	[sflag:s21] =	ssyncset.done $0x0  }
0x13a: {  	[sflag:s21] =	ssyncadd.s32 $0xFFFFC000  }
0x13b: {  	_ =	swait.ge [sflag:s21], $0x4000  }
0x13c: {  	[sflag:s21] =	ssyncset.done $0x0  }
0x13d: {  	[sflag:s21] =	ssyncadd.s32 $0xFFFFC000  }
0x13e: {  	[hbm4b:s8+s2] =	stream.linear.scatter [tilespmem:s16], [sflag:$0x3], $0x4000, $0x38;
	[tilespmem:$0x10400] =	vst v63  }
0x13f: {  	_ = 	snop  }
0x140: {  	[hbm4b:s9+s2] =	stream.linear.scatter [tilespmem:s17], [sflag:$0x3], $0x4000, $0x38;
	[tilespmem:$0x10400] =	vst v63  }
0x141: {  	_ =	swait.ge [sflag:s7], $0x4000  }
0x142: {  	[sflag:s7] =	ssyncset.done $0x0  }
0x143: {  	[sflag:s7] =	ssyncadd.s32 $0xFFFFC000  }
0x144: {  	_ =	swait.ge [sflag:s7], $0x4000  }
0x145: {  	[sflag:s7] =	ssyncset.done $0x0  }
0x146: {  	[sflag:s7] =	ssyncadd.s32 $0xFFFFC000  }
0x147: {  	_ =	swait.ge [sflag:s13], $0x4000  }
0x148: {  	[sflag:s13] =	ssyncset.done $0x0  }
0x149: {  	[sflag:s13] =	ssyncadd.s32 $0xFFFFC000  }
0x14a: {  	_ =	swait.ge [sflag:s13], $0x4000  }
0x14b: {  	[sflag:s13] =	ssyncset.done $0x0  }
0x14c: {  	[sflag:s13] =	ssyncadd.s32 $0xFFFFC000  }
0x14d: {  	[hbm4b:s5+s2] =	stream.linear.scatter [tilespmem:s11], [sflag:$0x4], $0x4000, $0x38;
	[tilespmem:$0x10400] =	vst v63  }
0x14e: {  	_ = 	snop  }
0x14f: {  	[hbm4b:s6+s2] =	stream.linear.scatter [tilespmem:s12], [sflag:$0x4], $0x4000, $0x38;
	[tilespmem:$0x10400] =	vst v63  }
0x150: {  	_ =	swait.ge [sflag:s10], $0x4000  }
0x151: {  	[sflag:s10] =	ssyncset.done $0x0  }
0x152: {  	[sflag:s10] =	ssyncadd.s32 $0xFFFFC000  }
0x153: {  	_ =	swait.ge [sflag:s10], $0x4000  }
0x154: {  	[sflag:s10] =	ssyncset.done $0x0  }
0x155: {  	[sflag:s10] =	ssyncadd.s32 $0xFFFFC000  }
0x156: {  	_ =	swait.ge [sflag:s7], $0x4000  }
0x157: {  	[sflag:s7] =	ssyncset.done $0x0  }
0x158: {  	[sflag:s7] =	ssyncadd.s32 $0xFFFFC000  }
0x159: {  	_ =	swait.ge [sflag:s7], $0x4000  }
0x15a: {  	[sflag:s7] =	ssyncset.done $0x0  }
0x15b: {  	[sflag:s7] =	ssyncadd.s32 $0xFFFFC000  }
0x15c: {  	_ =	sfence.sel $0x180000  }
0x15d: {  	[bflag:$0x0] =	sbarrier.arrive $0xFFFF  }
0x15e: {  	_ =	strace $0x90000047  }
0x15f: {  	s31 =	stileid.u32;
	[bflag:$0x2] =	sbarrier.arrive $0xFFFF  }
0x160: {  	p0 =	sne.s32 s31, $0x0;
	s0 =	rddreg [dreg:$0x3]  }
0x161: {  	s0 =	sadd.s32 @!p0 $0x100000, s0  }
0x162: {  	[sflag:s0] =	ssyncadd.tile.s32 @!p0 $0x1;
	_ =	shalt  }
.Lfunc_end2:
_tile_overlayer_lowered:
.L_overlay_start_2:
0x163: {  	(tag) =	ssettag $0x2  }
0x164: {  	s0 =	rddreg [dreg:$0x0];
	s2 =	stileid.u32  }
0x165: {  	s1 =	rddreg [dreg:$0x1];
	p0 =	sne.s32 s2, $0x0  }
0x166: {  	s3 =	rddreg [dreg:$0x2];
	[bflag:$0x3] =	sbarrier.arrive $0xFFFF;
	s2 =	simm.s32 @!p0 $0x1C05  }
0x167: {  	[timem:s3], [sflag:s2] =	dma.local @!p0 [hbm:s0], s1  }
0x168: {  	s0 =	simm.s32 @!p0 $0x5  }
0x169: {  	_ =	swait.ge @!p0 [sflag:s0], s1  }
0x16a: {  	s1 =	ssub.s32 @!p0 $0x0, s1;
	[sflag:s0] =	ssyncset.done @!p0 $0x0  }
0x16b: {  	[sflag:s0] =	ssyncadd.s32 @!p0 s1  }
0x16c: {  	[bflag:$0x3] =	sbarrier.arrive $0xFFFF  }
0x16d: {  	_ =	shalt  }

</sc_bundles>
